<compile_context>
chip_gen: v7x
topology: tpu7x:2x2x1
jax: 0.10.2.dev20260603
libtpu: 0.0.44.dev20260713+nightly
codegen_flags: <defaults>
</compile_context>

<pallas_src>
import jax
import jax.numpy as jnp
from jax import lax
from jax.experimental import pallas as pl
from jax.experimental.pallas import tpu as pltpu
from jax.experimental.pallas import tpu_sc as plsc

N = 10000
E = 320000
D = 128

NP = 10240
EP = 320512

NC = 2
NS = 16
NW = NC * NS

SUP = 1024
NCHUNK = EP // SUP
CTRIPS = -(-NCHUNK // NS)
TRIPS = -(-NCHUNK // NW)
G = 80
NG = N // G
GTRIPS = -(-NG // NS)

_f32 = jnp.float32


def _sigmoid(x):
    return jax.nn.sigmoid(x)


def _softsign(x):
    return x / (1.0 + jnp.abs(x))



def _pre_body(f_ref, w1a_ref, w1b_ref, o_ref):
    f = f_ref[...]
    o_ref[0] = jnp.dot(f, w1a_ref[...], preferred_element_type=_f32)
    o_ref[1] = jnp.dot(f, w1b_ref[...], preferred_element_type=_f32)


def _msg_body(zs_ref, zt_ref, b1_ref, w2_ref, b2_ref, o_ref):
    z = zs_ref[...] + zt_ref[...] + b1_ref[...]
    h = _sigmoid(z)
    m = jnp.dot(h, w2_ref[...], preferred_element_type=_f32) + b2_ref[...]
    o_ref[...] = _softsign(m)


def _fin_body(f_ref, p0_ref, p1_ref, t_ref, f1a_ref, f1b_ref, f1c_ref,
              fb1_ref, f2_ref, fb2_ref, o_ref):
    gf = _sigmoid(f_ref[...])
    ga = _sigmoid(p0_ref[...] + p1_ref[...])
    gt = _sigmoid(t_ref[...])
    g = _sigmoid(jnp.dot(gf, f1a_ref[...], preferred_element_type=_f32)
                 + jnp.dot(ga, f1b_ref[...], preferred_element_type=_f32)
                 + jnp.dot(gt, f1c_ref[...], preferred_element_type=_f32)
                 + fb1_ref[...])
    y = jnp.dot(g, f2_ref[...], preferred_element_type=_f32) + fb2_ref[...]
    o_ref[...] = _softsign(y)


def _row_spec(rows):
    return pl.BlockSpec((rows, D), lambda i: (i, 0))


def _rep_spec(shape):
    return pl.BlockSpec(shape, lambda i: (0,) * len(shape))



def _gather_body(idx3_hbm, tabs_hbm, z3_hbm, idx, buf, tab, sem0, sem1):
    cid = lax.axis_index("c")
    sid = lax.axis_index("s")

    @pl.when(sid == 0)
    def _():
        pltpu.sync_copy(tabs_hbm.at[cid], tab)

    plsc.subcore_barrier()

    def chunk(t, _):
        c = t * NS + sid

        @pl.when(c < NCHUNK)
        def _():
            pltpu.sync_copy(idx3_hbm.at[cid, pl.ds(c * 8, 8)], idx)
            sems = (sem0, sem1)
            cps = [None, None]

            def start(j):
                return pltpu.async_copy(tab.at[idx.at[j]], buf.at[j % 2],
                                        sems[j % 2])

            cps[0] = start(0)
            for j in range(8):
                if j < 7:
                    cps[(j + 1) % 2] = start(j + 1)
                cps[j % 2].wait()
                pltpu.sync_copy(buf.at[j % 2],
                                z3_hbm.at[cid, pl.ds(c * SUP + j * 128, 128)])

        return ()

    lax.fori_loop(0, CTRIPS, chunk, ())


def _scatter_body(rows2_hbm, msg_hbm, zeros_hbm, out_hbm, idx, buf, acc,
                  sem0, sem1):
    cid = lax.axis_index("c")
    sid = lax.axis_index("s")
    w = sid * NC + cid

    @pl.when(sid == 0)
    def _():
        pltpu.sync_copy(zeros_hbm, acc)

    plsc.subcore_barrier()

    def chunk(t, _):
        c = t * NW + w

        @pl.when(c < NCHUNK)
        def _():
            pltpu.sync_copy(rows2_hbm.at[pl.ds(c * 8, 8)], idx)
            sems = (sem0, sem1)
            cps = [None, None]

            def start(j):
                return pltpu.async_copy(
                    msg_hbm.at[pl.ds(c * SUP + j * 128, 128)],
                    buf.at[j % 2], sems[j % 2])

            cps[0] = start(0)
            for j in range(8):
                if j < 7:
                    cps[(j + 1) % 2] = start(j + 1)
                cps[j % 2].wait()
                pltpu.sync_copy(buf.at[j % 2], acc.at[idx.at[j]], add=True)

        return ()

    lax.fori_loop(0, TRIPS, chunk, ())
    plsc.subcore_barrier()

    def wb(t, _):
        g = t * NS + sid

        @pl.when(g < NG)
        def _():
            pltpu.sync_copy(acc.at[pl.ds(g * G, G)],
                            out_hbm.at[cid, pl.ds(g * G, G)])

        return ()

    lax.fori_loop(0, GTRIPS, wb, ())


_SC_MESH = plsc.VectorSubcoreMesh(core_axis_name="c", subcore_axis_name="s",
                                  num_cores=NC, num_subcores=NS)

_gather = pl.kernel(
    _gather_body,
    out_type=jax.ShapeDtypeStruct((NC, EP, D), _f32),
    mesh=_SC_MESH,
    scratch_types=[
        pltpu.VMEM((8, 128), jnp.int32),
        pltpu.VMEM((2, 128, D), _f32),
        pltpu.VMEM_SHARED((NP, D), _f32),
        pltpu.SemaphoreType.DMA,
        pltpu.SemaphoreType.DMA,
    ],
    name="sc_edge_gather",
)

_scatter = pl.kernel(
    _scatter_body,
    out_type=jax.ShapeDtypeStruct((NC, N, D), _f32),
    mesh=_SC_MESH,
    scratch_types=[
        pltpu.VMEM((8, 128), jnp.int32),
        pltpu.VMEM((2, 128, D), _f32),
        pltpu.VMEM_SHARED((NP, D), _f32),
        pltpu.SemaphoreType.DMA,
        pltpu.SemaphoreType.DMA,
    ],
    name="sc_segment_sum",
)


def kernel(features, edge_index, edge_attr, time_embedding,
           W1, b1, W2, b2, F1, fb1, F2, fb2):
    del edge_attr
    rows = edge_index[0]
    cols = edge_index[1]
    pad_e = EP - E
    rows_p = jnp.concatenate([rows, jnp.full((pad_e,), N, jnp.int32)])
    cols_p = jnp.concatenate([cols, jnp.zeros((pad_e,), jnp.int32)])
    rows2 = rows_p.reshape(EP // 128, 128)
    cols2 = cols_p.reshape(EP // 128, 128)
    idx3 = jnp.stack([rows2, cols2])
    feats_p = jnp.concatenate([features, jnp.zeros((NP - N, D), _f32)])
    b1r = b1.reshape(1, D)
    b2r = b2.reshape(1, D)
    fb1r = fb1.reshape(1, D)
    fb2r = fb2.reshape(1, D)
    w1a = W1[:D]
    w1b = W1[D:]
    f1a = F1[:D]
    f1b = F1[D:2 * D]
    f1c = F1[2 * D:]

    tabs = pl.pallas_call(
        _pre_body,
        grid=(10,),
        in_specs=[_row_spec(1024), _rep_spec((D, D)), _rep_spec((D, D))],
        out_specs=pl.BlockSpec((2, 1024, D), lambda i: (0, i, 0)),
        out_shape=jax.ShapeDtypeStruct((NC, NP, D), _f32),
    )(feats_p, w1a, w1b)

    z3 = _gather(idx3, tabs)

    msg = pl.pallas_call(
        _msg_body,
        grid=(313,),
        in_specs=[_row_spec(1024), _row_spec(1024), _rep_spec((1, D)),
                  _rep_spec((D, D)), _rep_spec((1, D))],
        out_specs=_row_spec(1024),
        out_shape=jax.ShapeDtypeStruct((EP, D), _f32),
    )(z3[0], z3[1], b1r, W2, b2r)

    partials = _scatter(rows2, msg, jnp.zeros((NP, D), _f32))

    out = pl.pallas_call(
        _fin_body,
        grid=(10,),
        in_specs=[_row_spec(1000), _row_spec(1000), _row_spec(1000),
                  _row_spec(1000), _rep_spec((D, D)), _rep_spec((D, D)),
                  _rep_spec((D, D)), _rep_spec((1, D)), _rep_spec((D, D)),
                  _rep_spec((1, D))],
        out_specs=_row_spec(1000),
        out_shape=jax.ShapeDtypeStruct((N, D), _f32),
    )(features, partials[0], partials[1], time_embedding,
      f1a, f1b, f1c, fb1r, F2, fb2r)

    return out

# --- scband reference (transcript-rebuilt; emitter-appended) ---
"""Pipeline reference for scband-gcl-29875792511391 (READ-ONLY COPY).

The authoritative reference and input builder live on the scoring server;
editing this copy changes nothing except your own understanding.
"""

import jax, jax.numpy as jnp
import numpy as np

N = 10000
E = 320000
D = 128   # input_feature_dim
M = 128   # message_dim
OUT = 128 # output_feature_dim


def softsign(x):
    return x / (1.0 + jnp.abs(x))


def setup_inputs(seed: int = 0) -> dict:
    key = jax.random.key(seed)
    ks = jax.random.split(key, 12)
    features = jax.random.normal(ks[0], (N, D), dtype=jnp.float32)
    edge_index = jax.random.randint(ks[1], (2, E), 0, N, dtype=jnp.int32)
    edge_attr = jnp.ones((E, 1), dtype=jnp.float32)
    time_embedding = jax.random.normal(ks[2], (N, M), dtype=jnp.float32)
    # message_mlp params: Dense(2D->M)+sigmoid, Dense(M->M)+softsign
    W1 = jax.random.normal(ks[3], (2 * D, M), dtype=jnp.float32) * 0.05
    b1 = jnp.zeros((M,), dtype=jnp.float32)
    W2 = jax.random.normal(ks[4], (M, M), dtype=jnp.float32) * 0.05
    b2 = jnp.zeros((M,), dtype=jnp.float32)
    # feature_mlp params: sigmoid(input), Dense(D+2M->M)+sigmoid, Dense(M->OUT)+softsign
    F1 = jax.random.normal(ks[5], (D + 2 * M, M), dtype=jnp.float32) * 0.05
    fb1 = jnp.zeros((M,), dtype=jnp.float32)
    F2 = jax.random.normal(ks[6], (M, OUT), dtype=jnp.float32) * 0.05
    fb2 = jnp.zeros((OUT,), dtype=jnp.float32)
    return {
        "features": features,
        "edge_index": edge_index,
        "edge_attr": edge_attr,
        "time_embedding": time_embedding,
        "W1": W1, "b1": b1, "W2": W2, "b2": b2,
        "F1": F1, "fb1": fb1, "F2": F2, "fb2": fb2,
    }


def reference(features, edge_index, edge_attr, time_embedding, W1, b1, W2, b2, F1, fb1, F2, fb2):
    rows = edge_index[0]
    cols = edge_index[1]
    # compute_messages: gather source/target node features along edges
    src = jnp.take(features, rows, axis=0)
    tgt = jnp.take(features, cols, axis=0)
    message_input = jnp.concatenate([src, tgt], axis=1)
    h = jax.nn.sigmoid(message_input @ W1 + b1)
    messages = softsign(h @ W2 + b2)
    # update_features: unsorted_segment_sum over row (dst) indices
    message_aggregate = jax.ops.segment_sum(messages, rows, num_segments=features.shape[0])
    feature_inputs = jnp.concatenate([features, message_aggregate, time_embedding], axis=1)
    g = jax.nn.sigmoid(feature_inputs)           # leading Activation(sigmoid) in feature_mlp
    g = jax.nn.sigmoid(g @ F1 + fb1)
    updated_features = softsign(g @ F2 + fb2)
    # Output Graph carries (updated_features, edges, edge_attributes); features are the payload
    return updated_features

if __name__ == "__main__":
    import jax
    _d = setup_inputs()
    print(jax.jit(kernel)(*tuple(_d.values())))

</pallas_src>

<mosaic_0001>
#map = affine_map<(d0, d1) -> (0, 0, 0)>
module attributes {stable_mosaic.version = 14 : i64} {
  func.func @sc_edge_gather(%arg0: i32, %arg1: i32, %arg2: memref<2x2504x128xi32, #tpu.memory_space<hbm>>, %arg3: memref<2x10240x128xf32, #tpu.memory_space<hbm>>, %arg4: memref<2x320512x128xf32, #tpu.memory_space<hbm>>, %arg5: memref<8x128xi32, #tpu.memory_space<vmem>>, %arg6: memref<2x128x128xf32, #tpu.memory_space<vmem>>, %arg7: memref<10240x128xf32, #tpu.memory_space<vmem_shared>>, %arg8: memref<!tpu.dma_semaphore, #tpu.memory_space<semaphore_mem>>, %arg9: memref<!tpu.dma_semaphore, #tpu.memory_space<semaphore_mem>>) attributes {dimension_semantics = [#tpu.dimension_semantics<core_parallel>, #tpu.dimension_semantics<subcore_parallel>], iteration_bounds = array<i64: 2, 16>, scalar_prefetch = 0 : i64, scratch_operands = 5 : i64, tpu.core_type = #tpu.core_type<sc_vector_subcore>, window_params = [{transform_indices = #map}, {transform_indices = #map}, {transform_indices = #map}]} {
    %eq3A = arith.constant 0 : i32
    %eq3A_0 = arith.cmpi eq, %arg1, %eq3A : i32
    %convert_element_type3A = arith.extui %eq3A_0 : i1 to i32
    %cond3A = arith.constant 0 : i32
    %cond3A_1 = arith.cmpi ne, %convert_element_type3A, %cond3A : i32
    scf.if %cond3A_1 {
      "tpu.region"() ({
        %run_scoped3A = tpu.sem_alloc : memref<!tpu.dma_semaphore, #tpu.memory_space<semaphore_mem>>
        %dma_start3A = arith.constant 0 : i32
        %dma_start3A_6 = arith.constant 0 : i32
        %dma_start3A_7 = tpu.memref_slice %arg3[%arg0, %dma_start3A, %dma_start3A_6] : memref<2x10240x128xf32, #tpu.memory_space<hbm>> -> memref<1x10240x128xf32, #tpu.memory_space<hbm>>
        %dma_start3A_8 = tpu.memref_squeeze %dma_start3A_7 : memref<1x10240x128xf32, #tpu.memory_space<hbm>> -> memref<10240x128xf32, #tpu.memory_space<hbm>>
        tpu.enqueue_dma source(%dma_start3A_8 : memref<10240x128xf32, #tpu.memory_space<hbm>>) target(%arg7 : memref<10240x128xf32, #tpu.memory_space<vmem_shared>>) target_semaphore(%run_scoped3A : memref<!tpu.dma_semaphore, #tpu.memory_space<semaphore_mem>>)
        %dma_wait3A = arith.constant 0 : i32
        %dma_wait3A_9 = arith.constant 0 : i32
        %dma_wait3A_10 = tpu.memref_slice %arg3[%arg0, %dma_wait3A, %dma_wait3A_9] : memref<2x10240x128xf32, #tpu.memory_space<hbm>> -> memref<1x10240x128xf32, #tpu.memory_space<hbm>>
        %dma_wait3A_11 = tpu.memref_squeeze %dma_wait3A_10 : memref<1x10240x128xf32, #tpu.memory_space<hbm>> -> memref<10240x128xf32, #tpu.memory_space<hbm>>
        tpu.wait_dma2 semaphore(%run_scoped3A : memref<!tpu.dma_semaphore, #tpu.memory_space<semaphore_mem>>) src(%dma_wait3A_11 : memref<10240x128xf32, #tpu.memory_space<hbm>>) dst(%arg7 : memref<10240x128xf32, #tpu.memory_space<vmem_shared>>)
        tpu.yield
      }) : () -> ()
    } else {
    }
    %barrier3A = arith.constant 0 : index
    tpu.barrier barrier_id(%barrier3A)
    %scan3A = arith.constant 0 : i32
    %scan3A_2 = arith.constant 20 : i32
    %scan3A_3 = arith.addi %scan3A, %scan3A_2 : i32
    %scan3A_4 = arith.constant 1 : i32
    scf.for %scan3A_6 = %scan3A to %scan3A_3 step %scan3A_4  : i32 {
      %mul3A = arith.constant 16 : i32
      %mul3A_7 = arith.muli %scan3A_6, %mul3A : i32
      %add3A = arith.addi %mul3A_7, %arg1 : i32
      %lt3A = arith.constant 313 : i32
      %lt3A_8 = arith.cmpi slt, %add3A, %lt3A : i32
      %convert_element_type3A_9 = arith.extui %lt3A_8 : i1 to i32
      %cond3A_10 = arith.constant 0 : i32
      %cond3A_11 = arith.cmpi ne, %convert_element_type3A_9, %cond3A_10 : i32
      scf.if %cond3A_11 {
        %mul3A_12 = arith.constant 8 : i32
        %mul3A_13 = arith.muli %add3A, %mul3A_12 : i32
        "tpu.region"() ({
          %run_scoped3A_243 = tpu.sem_alloc : memref<!tpu.dma_semaphore, #tpu.memory_space<semaphore_mem>>
          %dma_start3A_244 = arith.constant 0 : i32
          %dma_start3A_245 = tpu.memref_slice %arg2[%arg0, %mul3A_13, %dma_start3A_244] : memref<2x2504x128xi32, #tpu.memory_space<hbm>> -> memref<1x8x128xi32, #tpu.memory_space<hbm>>
          %dma_start3A_246 = tpu.memref_squeeze %dma_start3A_245 : memref<1x8x128xi32, #tpu.memory_space<hbm>> -> memref<8x128xi32, #tpu.memory_space<hbm>>
          %dma_start3A_247 = arith.constant 0 : i32
          %dma_start3A_248 = tpu.memref_slice %arg2[%arg0, %mul3A_13, %dma_start3A_247] : memref<2x2504x128xi32, #tpu.memory_space<hbm>> -> memref<1x8x128xi32, #tpu.memory_space<hbm>>
          %dma_start3A_249 = tpu.memref_squeeze %dma_start3A_248 : memref<1x8x128xi32, #tpu.memory_space<hbm>> -> memref<8x128xi32, #tpu.memory_space<hbm>>
          tpu.enqueue_dma source(%dma_start3A_249 : memref<8x128xi32, #tpu.memory_space<hbm>>) target(%arg5 : memref<8x128xi32, #tpu.memory_space<vmem>>) target_semaphore(%run_scoped3A_243 : memref<!tpu.dma_semaphore, #tpu.memory_space<semaphore_mem>>)
          %dma_wait3A_250 = arith.constant 0 : i32
          %dma_wait3A_251 = tpu.memref_slice %arg2[%arg0, %mul3A_13, %dma_wait3A_250] : memref<2x2504x128xi32, #tpu.memory_space<hbm>> -> memref<1x8x128xi32, #tpu.memory_space<hbm>>
          %dma_wait3A_252 = tpu.memref_squeeze %dma_wait3A_251 : memref<1x8x128xi32, #tpu.memory_space<hbm>> -> memref<8x128xi32, #tpu.memory_space<hbm>>
          %dma_wait3A_253 = arith.constant 0 : i32
          %dma_wait3A_254 = tpu.memref_slice %arg2[%arg0, %mul3A_13, %dma_wait3A_253] : memref<2x2504x128xi32, #tpu.memory_space<hbm>> -> memref<1x8x128xi32, #tpu.memory_space<hbm>>
          %dma_wait3A_255 = tpu.memref_squeeze %dma_wait3A_254 : memref<1x8x128xi32, #tpu.memory_space<hbm>> -> memref<8x128xi32, #tpu.memory_space<hbm>>
          tpu.wait_dma2 semaphore(%run_scoped3A_243 : memref<!tpu.dma_semaphore, #tpu.memory_space<semaphore_mem>>) src(%dma_wait3A_255 : memref<8x128xi32, #tpu.memory_space<hbm>>) dst(%arg5 : memref<8x128xi32, #tpu.memory_space<vmem>>)
          tpu.yield
        }) : () -> ()
        %dma_start3A = arith.constant 0 : i32
        %dma_start3A_14 = arith.constant 0 : i32
        %dma_start3A_15 = arith.constant 0 : i32
        %dma_start3A_16 = arith.constant 0 : i32
        %dma_start3A_17 = tpu.memref_slice %arg6[%dma_start3A_14, %dma_start3A_15, %dma_start3A_16] : memref<2x128x128xf32, #tpu.memory_space<vmem>> -> memref<1x128x128xf32, #tpu.memory_space<vmem>>
        %dma_start3A_18 = tpu.memref_squeeze %dma_start3A_17 : memref<1x128x128xf32, #tpu.memory_space<vmem>> -> memref<128x128xf32, #tpu.memory_space<vmem>>
        %dma_start3A_19 = arith.constant 0 : i32
        %dma_start3A_20 = tpu.memref_slice %arg5[%dma_start3A, %dma_start3A_19] : memref<8x128xi32, #tpu.memory_space<vmem>> -> memref<1x128xi32, #tpu.memory_space<vmem>>
        %dma_start3A_21 = tpu.memref_squeeze %dma_start3A_20 : memref<1x128xi32, #tpu.memory_space<vmem>> -> memref<128xi32, #tpu.memory_space<vmem>>
        %dma_start3A_22 = arith.constant 0 : i32
        %dma_start3A_23 = arith.constant 0 : i32
        %dma_start3A_24 = tpu.memref_slice %arg7[%dma_start3A_22, %dma_start3A_23] : memref<10240x128xf32, #tpu.memory_space<vmem_shared>> -> memref<10240x128xf32, #tpu.memory_space<vmem_shared>>
        tpu.enqueue_indirect_dma source(%dma_start3A_24 : memref<10240x128xf32, #tpu.memory_space<vmem_shared>>) target(%dma_start3A_18 : memref<128x128xf32, #tpu.memory_space<vmem>>) offsets(%dma_start3A_21 : memref<128xi32, #tpu.memory_space<vmem>>) semaphore(%arg8 : memref<!tpu.dma_semaphore, #tpu.memory_space<semaphore_mem>>)
        %dma_start3A_25 = arith.constant 1 : i32
        %dma_start3A_26 = arith.constant 1 : i32
        %dma_start3A_27 = arith.constant 0 : i32
        %dma_start3A_28 = arith.constant 0 : i32
        %dma_start3A_29 = tpu.memref_slice %arg6[%dma_start3A_26, %dma_start3A_27, %dma_start3A_28] : memref<2x128x128xf32, #tpu.memory_space<vmem>> -> memref<1x128x128xf32, #tpu.memory_space<vmem>>
        %dma_start3A_30 = tpu.memref_squeeze %dma_start3A_29 : memref<1x128x128xf32, #tpu.memory_space<vmem>> -> memref<128x128xf32, #tpu.memory_space<vmem>>
        %dma_start3A_31 = arith.constant 0 : i32
        %dma_start3A_32 = tpu.memref_slice %arg5[%dma_start3A_25, %dma_start3A_31] : memref<8x128xi32, #tpu.memory_space<vmem>> -> memref<1x128xi32, #tpu.memory_space<vmem>>
        %dma_start3A_33 = tpu.memref_squeeze %dma_start3A_32 : memref<1x128xi32, #tpu.memory_space<vmem>> -> memref<128xi32, #tpu.memory_space<vmem>>
        %dma_start3A_34 = arith.constant 0 : i32
        %dma_start3A_35 = arith.constant 0 : i32
        %dma_start3A_36 = tpu.memref_slice %arg7[%dma_start3A_34, %dma_start3A_35] : memref<10240x128xf32, #tpu.memory_space<vmem_shared>> -> memref<10240x128xf32, #tpu.memory_space<vmem_shared>>
        tpu.enqueue_indirect_dma source(%dma_start3A_36 : memref<10240x128xf32, #tpu.memory_space<vmem_shared>>) target(%dma_start3A_30 : memref<128x128xf32, #tpu.memory_space<vmem>>) offsets(%dma_start3A_33 : memref<128xi32, #tpu.memory_space<vmem>>) semaphore(%arg9 : memref<!tpu.dma_semaphore, #tpu.memory_space<semaphore_mem>>)
        %dma_wait3A = arith.constant 0 : i32
        %dma_wait3A_37 = arith.constant 0 : i32
        %dma_wait3A_38 = arith.constant 0 : i32
        %dma_wait3A_39 = arith.constant 0 : i32
        %dma_wait3A_40 = tpu.memref_slice %arg6[%dma_wait3A_37, %dma_wait3A_38, %dma_wait3A_39] : memref<2x128x128xf32, #tpu.memory_space<vmem>> -> memref<1x128x128xf32, #tpu.memory_space<vmem>>
        %dma_wait3A_41 = tpu.memref_squeeze %dma_wait3A_40 : memref<1x128x128xf32, #tpu.memory_space<vmem>> -> memref<128x128xf32, #tpu.memory_space<vmem>>
        %dma_wait3A_42 = arith.constant 0 : i32
        %dma_wait3A_43 = tpu.memref_slice %arg5[%dma_wait3A, %dma_wait3A_42] : memref<8x128xi32, #tpu.memory_space<vmem>> -> memref<1x128xi32, #tpu.memory_space<vmem>>
        %dma_wait3A_44 = tpu.memref_squeeze %dma_wait3A_43 : memref<1x128xi32, #tpu.memory_space<vmem>> -> memref<128xi32, #tpu.memory_space<vmem>>
        %dma_wait3A_45 = arith.constant 0 : i32
        %dma_wait3A_46 = arith.constant 0 : i32
        %dma_wait3A_47 = tpu.memref_slice %arg7[%dma_wait3A_45, %dma_wait3A_46] : memref<10240x128xf32, #tpu.memory_space<vmem_shared>> -> memref<10240x128xf32, #tpu.memory_space<vmem_shared>>
        tpu.wait_indirect_dma semaphore(%arg8 : memref<!tpu.dma_semaphore, #tpu.memory_space<semaphore_mem>>) src(%dma_wait3A_47 : memref<10240x128xf32, #tpu.memory_space<vmem_shared>>) dst(%dma_wait3A_41 : memref<128x128xf32, #tpu.memory_space<vmem>>)
        %mul3A_48 = arith.constant 1024 : i32
        %mul3A_49 = arith.muli %add3A, %mul3A_48 : i32
        %add3A_50 = arith.constant 0 : i32
        %add3A_51 = arith.addi %mul3A_49, %add3A_50 : i32
        %run_scoped3A = arith.constant 0 : i32
        "tpu.region"() ({
          %run_scoped3A_243 = tpu.sem_alloc : memref<!tpu.dma_semaphore, #tpu.memory_space<semaphore_mem>>
          %dma_start3A_244 = arith.constant 0 : i32
          %dma_start3A_245 = arith.constant 0 : i32
          %dma_start3A_246 = tpu.memref_slice %arg6[%run_scoped3A, %dma_start3A_244, %dma_start3A_245] : memref<2x128x128xf32, #tpu.memory_space<vmem>> -> memref<1x128x128xf32, #tpu.memory_space<vmem>>
          %dma_start3A_247 = tpu.memref_squeeze %dma_start3A_246 : memref<1x128x128xf32, #tpu.memory_space<vmem>> -> memref<128x128xf32, #tpu.memory_space<vmem>>
          %dma_start3A_248 = arith.constant 0 : i32
          %dma_start3A_249 = tpu.memref_slice %arg4[%arg0, %add3A_51, %dma_start3A_248] : memref<2x320512x128xf32, #tpu.memory_space<hbm>> -> memref<1x128x128xf32, #tpu.memory_space<hbm>>
          %dma_start3A_250 = tpu.memref_squeeze %dma_start3A_249 : memref<1x128x128xf32, #tpu.memory_space<hbm>> -> memref<128x128xf32, #tpu.memory_space<hbm>>
          %dma_start3A_251 = arith.constant 0 : i32
          %dma_start3A_252 = tpu.memref_slice %arg4[%arg0, %add3A_51, %dma_start3A_251] : memref<2x320512x128xf32, #tpu.memory_space<hbm>> -> memref<1x128x128xf32, #tpu.memory_space<hbm>>
          %dma_start3A_253 = tpu.memref_squeeze %dma_start3A_252 : memref<1x128x128xf32, #tpu.memory_space<hbm>> -> memref<128x128xf32, #tpu.memory_space<hbm>>
          %dma_start3A_254 = arith.constant 0 : i32
          %dma_start3A_255 = arith.constant 0 : i32
          %dma_start3A_256 = tpu.memref_slice %arg6[%run_scoped3A, %dma_start3A_254, %dma_start3A_255] : memref<2x128x128xf32, #tpu.memory_space<vmem>> -> memref<1x128x128xf32, #tpu.memory_space<vmem>>
          %dma_start3A_257 = tpu.memref_squeeze %dma_start3A_256 : memref<1x128x128xf32, #tpu.memory_space<vmem>> -> memref<128x128xf32, #tpu.memory_space<vmem>>
          tpu.enqueue_dma source(%dma_start3A_257 : memref<128x128xf32, #tpu.memory_space<vmem>>) target(%dma_start3A_253 : memref<128x128xf32, #tpu.memory_space<hbm>>) target_semaphore(%run_scoped3A_243 : memref<!tpu.dma_semaphore, #tpu.memory_space<semaphore_mem>>)
          %dma_wait3A_258 = arith.constant 0 : i32
          %dma_wait3A_259 = arith.constant 0 : i32
          %dma_wait3A_260 = tpu.memref_slice %arg6[%run_scoped3A, %dma_wait3A_258, %dma_wait3A_259] : memref<2x128x128xf32, #tpu.memory_space<vmem>> -> memref<1x128x128xf32, #tpu.memory_space<vmem>>
          %dma_wait3A_261 = tpu.memref_squeeze %dma_wait3A_260 : memref<1x128x128xf32, #tpu.memory_space<vmem>> -> memref<128x128xf32, #tpu.memory_space<vmem>>
          %dma_wait3A_262 = arith.constant 0 : i32
          %dma_wait3A_263 = tpu.memref_slice %arg4[%arg0, %add3A_51, %dma_wait3A_262] : memref<2x320512x128xf32, #tpu.memory_space<hbm>> -> memref<1x128x128xf32, #tpu.memory_space<hbm>>
          %dma_wait3A_264 = tpu.memref_squeeze %dma_wait3A_263 : memref<1x128x128xf32, #tpu.memory_space<hbm>> -> memref<128x128xf32, #tpu.memory_space<hbm>>
          %dma_wait3A_265 = arith.constant 0 : i32
          %dma_wait3A_266 = tpu.memref_slice %arg4[%arg0, %add3A_51, %dma_wait3A_265] : memref<2x320512x128xf32, #tpu.memory_space<hbm>> -> memref<1x128x128xf32, #tpu.memory_space<hbm>>
          %dma_wait3A_267 = tpu.memref_squeeze %dma_wait3A_266 : memref<1x128x128xf32, #tpu.memory_space<hbm>> -> memref<128x128xf32, #tpu.memory_space<hbm>>
          %dma_wait3A_268 = arith.constant 0 : i32
          %dma_wait3A_269 = arith.constant 0 : i32
          %dma_wait3A_270 = tpu.memref_slice %arg6[%run_scoped3A, %dma_wait3A_268, %dma_wait3A_269] : memref<2x128x128xf32, #tpu.memory_space<vmem>> -> memref<1x128x128xf32, #tpu.memory_space<vmem>>
          %dma_wait3A_271 = tpu.memref_squeeze %dma_wait3A_270 : memref<1x128x128xf32, #tpu.memory_space<vmem>> -> memref<128x128xf32, #tpu.memory_space<vmem>>
          tpu.wait_dma2 semaphore(%run_scoped3A_243 : memref<!tpu.dma_semaphore, #tpu.memory_space<semaphore_mem>>) src(%dma_wait3A_271 : memref<128x128xf32, #tpu.memory_space<vmem>>) dst(%dma_wait3A_267 : memref<128x128xf32, #tpu.memory_space<hbm>>)
          tpu.yield
        }) : () -> ()
        %dma_start3A_52 = arith.constant 2 : i32
        %dma_start3A_53 = arith.constant 0 : i32
        %dma_start3A_54 = arith.constant 0 : i32
        %dma_start3A_55 = arith.constant 0 : i32
        %dma_start3A_56 = tpu.memref_slice %arg6[%dma_start3A_53, %dma_start3A_54, %dma_start3A_55] : memref<2x128x128xf32, #tpu.memory_space<vmem>> -> memref<1x128x128xf32, #tpu.memory_space<vmem>>
        %dma_start3A_57 = tpu.memref_squeeze %dma_start3A_56 : memref<1x128x128xf32, #tpu.memory_space<vmem>> -> memref<128x128xf32, #tpu.memory_space<vmem>>
        %dma_start3A_58 = arith.constant 0 : i32
        %dma_start3A_59 = tpu.memref_slice %arg5[%dma_start3A_52, %dma_start3A_58] : memref<8x128xi32, #tpu.memory_space<vmem>> -> memref<1x128xi32, #tpu.memory_space<vmem>>
        %dma_start3A_60 = tpu.memref_squeeze %dma_start3A_59 : memref<1x128xi32, #tpu.memory_space<vmem>> -> memref<128xi32, #tpu.memory_space<vmem>>
        %dma_start3A_61 = arith.constant 0 : i32
        %dma_start3A_62 = arith.constant 0 : i32
        %dma_start3A_63 = tpu.memref_slice %arg7[%dma_start3A_61, %dma_start3A_62] : memref<10240x128xf32, #tpu.memory_space<vmem_shared>> -> memref<10240x128xf32, #tpu.memory_space<vmem_shared>>
        tpu.enqueue_indirect_dma source(%dma_start3A_63 : memref<10240x128xf32, #tpu.memory_space<vmem_shared>>) target(%dma_start3A_57 : memref<128x128xf32, #tpu.memory_space<vmem>>) offsets(%dma_start3A_60 : memref<128xi32, #tpu.memory_space<vmem>>) semaphore(%arg8 : memref<!tpu.dma_semaphore, #tpu.memory_space<semaphore_mem>>)
        %dma_wait3A_64 = arith.constant 1 : i32
        %dma_wait3A_65 = arith.constant 1 : i32
        %dma_wait3A_66 = arith.constant 0 : i32
        %dma_wait3A_67 = arith.constant 0 : i32
        %dma_wait3A_68 = tpu.memref_slice %arg6[%dma_wait3A_65, %dma_wait3A_66, %dma_wait3A_67] : memref<2x128x128xf32, #tpu.memory_space<vmem>> -> memref<1x128x128xf32, #tpu.memory_space<vmem>>
        %dma_wait3A_69 = tpu.memref_squeeze %dma_wait3A_68 : memref<1x128x128xf32, #tpu.memory_space<vmem>> -> memref<128x128xf32, #tpu.memory_space<vmem>>
        %dma_wait3A_70 = arith.constant 0 : i32
        %dma_wait3A_71 = tpu.memref_slice %arg5[%dma_wait3A_64, %dma_wait3A_70] : memref<8x128xi32, #tpu.memory_space<vmem>> -> memref<1x128xi32, #tpu.memory_space<vmem>>
        %dma_wait3A_72 = tpu.memref_squeeze %dma_wait3A_71 : memref<1x128xi32, #tpu.memory_space<vmem>> -> memref<128xi32, #tpu.memory_space<vmem>>
        %dma_wait3A_73 = arith.constant 0 : i32
        %dma_wait3A_74 = arith.constant 0 : i32
        %dma_wait3A_75 = tpu.memref_slice %arg7[%dma_wait3A_73, %dma_wait3A_74] : memref<10240x128xf32, #tpu.memory_space<vmem_shared>> -> memref<10240x128xf32, #tpu.memory_space<vmem_shared>>
        tpu.wait_indirect_dma semaphore(%arg9 : memref<!tpu.dma_semaphore, #tpu.memory_space<semaphore_mem>>) src(%dma_wait3A_75 : memref<10240x128xf32, #tpu.memory_space<vmem_shared>>) dst(%dma_wait3A_69 : memref<128x128xf32, #tpu.memory_space<vmem>>)
        %mul3A_76 = arith.constant 1024 : i32
        %mul3A_77 = arith.muli %add3A, %mul3A_76 : i32
        %add3A_78 = arith.constant 128 : i32
        %add3A_79 = arith.addi %mul3A_77, %add3A_78 : i32
        %run_scoped3A_80 = arith.constant 1 : i32
        "tpu.region"() ({
          %run_scoped3A_243 = tpu.sem_alloc : memref<!tpu.dma_semaphore, #tpu.memory_space<semaphore_mem>>
          %dma_start3A_244 = arith.constant 0 : i32
          %dma_start3A_245 = arith.constant 0 : i32
          %dma_start3A_246 = tpu.memref_slice %arg6[%run_scoped3A_80, %dma_start3A_244, %dma_start3A_245] : memref<2x128x128xf32, #tpu.memory_space<vmem>> -> memref<1x128x128xf32, #tpu.memory_space<vmem>>
          %dma_start3A_247 = tpu.memref_squeeze %dma_start3A_246 : memref<1x128x128xf32, #tpu.memory_space<vmem>> -> memref<128x128xf32, #tpu.memory_space<vmem>>
          %dma_start3A_248 = arith.constant 0 : i32
          %dma_start3A_249 = tpu.memref_slice %arg4[%arg0, %add3A_79, %dma_start3A_248] : memref<2x320512x128xf32, #tpu.memory_space<hbm>> -> memref<1x128x128xf32, #tpu.memory_space<hbm>>
          %dma_start3A_250 = tpu.memref_squeeze %dma_start3A_249 : memref<1x128x128xf32, #tpu.memory_space<hbm>> -> memref<128x128xf32, #tpu.memory_space<hbm>>
          %dma_start3A_251 = arith.constant 0 : i32
          %dma_start3A_252 = tpu.memref_slice %arg4[%arg0, %add3A_79, %dma_start3A_251] : memref<2x320512x128xf32, #tpu.memory_space<hbm>> -> memref<1x128x128xf32, #tpu.memory_space<hbm>>
          %dma_start3A_253 = tpu.memref_squeeze %dma_start3A_252 : memref<1x128x128xf32, #tpu.memory_space<hbm>> -> memref<128x128xf32, #tpu.memory_space<hbm>>
          %dma_start3A_254 = arith.constant 0 : i32
          %dma_start3A_255 = arith.constant 0 : i32
          %dma_start3A_256 = tpu.memref_slice %arg6[%run_scoped3A_80, %dma_start3A_254, %dma_start3A_255] : memref<2x128x128xf32, #tpu.memory_space<vmem>> -> memref<1x128x128xf32, #tpu.memory_space<vmem>>
          %dma_start3A_257 = tpu.memref_squeeze %dma_start3A_256 : memref<1x128x128xf32, #tpu.memory_space<vmem>> -> memref<128x128xf32, #tpu.memory_space<vmem>>
          tpu.enqueue_dma source(%dma_start3A_257 : memref<128x128xf32, #tpu.memory_space<vmem>>) target(%dma_start3A_253 : memref<128x128xf32, #tpu.memory_space<hbm>>) target_semaphore(%run_scoped3A_243 : memref<!tpu.dma_semaphore, #tpu.memory_space<semaphore_mem>>)
          %dma_wait3A_258 = arith.constant 0 : i32
          %dma_wait3A_259 = arith.constant 0 : i32
          %dma_wait3A_260 = tpu.memref_slice %arg6[%run_scoped3A_80, %dma_wait3A_258, %dma_wait3A_259] : memref<2x128x128xf32, #tpu.memory_space<vmem>> -> memref<1x128x128xf32, #tpu.memory_space<vmem>>
          %dma_wait3A_261 = tpu.memref_squeeze %dma_wait3A_260 : memref<1x128x128xf32, #tpu.memory_space<vmem>> -> memref<128x128xf32, #tpu.memory_space<vmem>>
          %dma_wait3A_262 = arith.constant 0 : i32
          %dma_wait3A_263 = tpu.memref_slice %arg4[%arg0, %add3A_79, %dma_wait3A_262] : memref<2x320512x128xf32, #tpu.memory_space<hbm>> -> memref<1x128x128xf32, #tpu.memory_space<hbm>>
          %dma_wait3A_264 = tpu.memref_squeeze %dma_wait3A_263 : memref<1x128x128xf32, #tpu.memory_space<hbm>> -> memref<128x128xf32, #tpu.memory_space<hbm>>
          %dma_wait3A_265 = arith.constant 0 : i32
          %dma_wait3A_266 = tpu.memref_slice %arg4[%arg0, %add3A_79, %dma_wait3A_265] : memref<2x320512x128xf32, #tpu.memory_space<hbm>> -> memref<1x128x128xf32, #tpu.memory_space<hbm>>
          %dma_wait3A_267 = tpu.memref_squeeze %dma_wait3A_266 : memref<1x128x128xf32, #tpu.memory_space<hbm>> -> memref<128x128xf32, #tpu.memory_space<hbm>>
          %dma_wait3A_268 = arith.constant 0 : i32
          %dma_wait3A_269 = arith.constant 0 : i32
          %dma_wait3A_270 = tpu.memref_slice %arg6[%run_scoped3A_80, %dma_wait3A_268, %dma_wait3A_269] : memref<2x128x128xf32, #tpu.memory_space<vmem>> -> memref<1x128x128xf32, #tpu.memory_space<vmem>>
          %dma_wait3A_271 = tpu.memref_squeeze %dma_wait3A_270 : memref<1x128x128xf32, #tpu.memory_space<vmem>> -> memref<128x128xf32, #tpu.memory_space<vmem>>
          tpu.wait_dma2 semaphore(%run_scoped3A_243 : memref<!tpu.dma_semaphore, #tpu.memory_space<semaphore_mem>>) src(%dma_wait3A_271 : memref<128x128xf32, #tpu.memory_space<vmem>>) dst(%dma_wait3A_267 : memref<128x128xf32, #tpu.memory_space<hbm>>)
          tpu.yield
        }) : () -> ()
        %dma_start3A_81 = arith.constant 3 : i32
        %dma_start3A_82 = arith.constant 1 : i32
        %dma_start3A_83 = arith.constant 0 : i32
        %dma_start3A_84 = arith.constant 0 : i32
        %dma_start3A_85 = tpu.memref_slice %arg6[%dma_start3A_82, %dma_start3A_83, %dma_start3A_84] : memref<2x128x128xf32, #tpu.memory_space<vmem>> -> memref<1x128x128xf32, #tpu.memory_space<vmem>>
        %dma_start3A_86 = tpu.memref_squeeze %dma_start3A_85 : memref<1x128x128xf32, #tpu.memory_space<vmem>> -> memref<128x128xf32, #tpu.memory_space<vmem>>
        %dma_start3A_87 = arith.constant 0 : i32
        %dma_start3A_88 = tpu.memref_slice %arg5[%dma_start3A_81, %dma_start3A_87] : memref<8x128xi32, #tpu.memory_space<vmem>> -> memref<1x128xi32, #tpu.memory_space<vmem>>
        %dma_start3A_89 = tpu.memref_squeeze %dma_start3A_88 : memref<1x128xi32, #tpu.memory_space<vmem>> -> memref<128xi32, #tpu.memory_space<vmem>>
        %dma_start3A_90 = arith.constant 0 : i32
        %dma_start3A_91 = arith.constant 0 : i32
        %dma_start3A_92 = tpu.memref_slice %arg7[%dma_start3A_90, %dma_start3A_91] : memref<10240x128xf32, #tpu.memory_space<vmem_shared>> -> memref<10240x128xf32, #tpu.memory_space<vmem_shared>>
        tpu.enqueue_indirect_dma source(%dma_start3A_92 : memref<10240x128xf32, #tpu.memory_space<vmem_shared>>) target(%dma_start3A_86 : memref<128x128xf32, #tpu.memory_space<vmem>>) offsets(%dma_start3A_89 : memref<128xi32, #tpu.memory_space<vmem>>) semaphore(%arg9 : memref<!tpu.dma_semaphore, #tpu.memory_space<semaphore_mem>>)
        %dma_wait3A_93 = arith.constant 2 : i32
        %dma_wait3A_94 = arith.constant 0 : i32
        %dma_wait3A_95 = arith.constant 0 : i32
        %dma_wait3A_96 = arith.constant 0 : i32
        %dma_wait3A_97 = tpu.memref_slice %arg6[%dma_wait3A_94, %dma_wait3A_95, %dma_wait3A_96] : memref<2x128x128xf32, #tpu.memory_space<vmem>> -> memref<1x128x128xf32, #tpu.memory_space<vmem>>
        %dma_wait3A_98 = tpu.memref_squeeze %dma_wait3A_97 : memref<1x128x128xf32, #tpu.memory_space<vmem>> -> memref<128x128xf32, #tpu.memory_space<vmem>>
        %dma_wait3A_99 = arith.constant 0 : i32
        %dma_wait3A_100 = tpu.memref_slice %arg5[%dma_wait3A_93, %dma_wait3A_99] : memref<8x128xi32, #tpu.memory_space<vmem>> -> memref<1x128xi32, #tpu.memory_space<vmem>>
        %dma_wait3A_101 = tpu.memref_squeeze %dma_wait3A_100 : memref<1x128xi32, #tpu.memory_space<vmem>> -> memref<128xi32, #tpu.memory_space<vmem>>
        %dma_wait3A_102 = arith.constant 0 : i32
        %dma_wait3A_103 = arith.constant 0 : i32
        %dma_wait3A_104 = tpu.memref_slice %arg7[%dma_wait3A_102, %dma_wait3A_103] : memref<10240x128xf32, #tpu.memory_space<vmem_shared>> -> memref<10240x128xf32, #tpu.memory_space<vmem_shared>>
        tpu.wait_indirect_dma semaphore(%arg8 : memref<!tpu.dma_semaphore, #tpu.memory_space<semaphore_mem>>) src(%dma_wait3A_104 : memref<10240x128xf32, #tpu.memory_space<vmem_shared>>) dst(%dma_wait3A_98 : memref<128x128xf32, #tpu.memory_space<vmem>>)
        %mul3A_105 = arith.constant 1024 : i32
        %mul3A_106 = arith.muli %add3A, %mul3A_105 : i32
        %add3A_107 = arith.constant 256 : i32
        %add3A_108 = arith.addi %mul3A_106, %add3A_107 : i32
        %run_scoped3A_109 = arith.constant 0 : i32
        "tpu.region"() ({
          %run_scoped3A_243 = tpu.sem_alloc : memref<!tpu.dma_semaphore, #tpu.memory_space<semaphore_mem>>
          %dma_start3A_244 = arith.constant 0 : i32
          %dma_start3A_245 = arith.constant 0 : i32
          %dma_start3A_246 = tpu.memref_slice %arg6[%run_scoped3A_109, %dma_start3A_244, %dma_start3A_245] : memref<2x128x128xf32, #tpu.memory_space<vmem>> -> memref<1x128x128xf32, #tpu.memory_space<vmem>>
          %dma_start3A_247 = tpu.memref_squeeze %dma_start3A_246 : memref<1x128x128xf32, #tpu.memory_space<vmem>> -> memref<128x128xf32, #tpu.memory_space<vmem>>
          %dma_start3A_248 = arith.constant 0 : i32
          %dma_start3A_249 = tpu.memref_slice %arg4[%arg0, %add3A_108, %dma_start3A_248] : memref<2x320512x128xf32, #tpu.memory_space<hbm>> -> memref<1x128x128xf32, #tpu.memory_space<hbm>>
          %dma_start3A_250 = tpu.memref_squeeze %dma_start3A_249 : memref<1x128x128xf32, #tpu.memory_space<hbm>> -> memref<128x128xf32, #tpu.memory_space<hbm>>
          %dma_start3A_251 = arith.constant 0 : i32
          %dma_start3A_252 = tpu.memref_slice %arg4[%arg0, %add3A_108, %dma_start3A_251] : memref<2x320512x128xf32, #tpu.memory_space<hbm>> -> memref<1x128x128xf32, #tpu.memory_space<hbm>>
          %dma_start3A_253 = tpu.memref_squeeze %dma_start3A_252 : memref<1x128x128xf32, #tpu.memory_space<hbm>> -> memref<128x128xf32, #tpu.memory_space<hbm>>
          %dma_start3A_254 = arith.constant 0 : i32
          %dma_start3A_255 = arith.constant 0 : i32
          %dma_start3A_256 = tpu.memref_slice %arg6[%run_scoped3A_109, %dma_start3A_254, %dma_start3A_255] : memref<2x128x128xf32, #tpu.memory_space<vmem>> -> memref<1x128x128xf32, #tpu.memory_space<vmem>>
          %dma_start3A_257 = tpu.memref_squeeze %dma_start3A_256 : memref<1x128x128xf32, #tpu.memory_space<vmem>> -> memref<128x128xf32, #tpu.memory_space<vmem>>
          tpu.enqueue_dma source(%dma_start3A_257 : memref<128x128xf32, #tpu.memory_space<vmem>>) target(%dma_start3A_253 : memref<128x128xf32, #tpu.memory_space<hbm>>) target_semaphore(%run_scoped3A_243 : memref<!tpu.dma_semaphore, #tpu.memory_space<semaphore_mem>>)
          %dma_wait3A_258 = arith.constant 0 : i32
          %dma_wait3A_259 = arith.constant 0 : i32
          %dma_wait3A_260 = tpu.memref_slice %arg6[%run_scoped3A_109, %dma_wait3A_258, %dma_wait3A_259] : memref<2x128x128xf32, #tpu.memory_space<vmem>> -> memref<1x128x128xf32, #tpu.memory_space<vmem>>
          %dma_wait3A_261 = tpu.memref_squeeze %dma_wait3A_260 : memref<1x128x128xf32, #tpu.memory_space<vmem>> -> memref<128x128xf32, #tpu.memory_space<vmem>>
          %dma_wait3A_262 = arith.constant 0 : i32
          %dma_wait3A_263 = tpu.memref_slice %arg4[%arg0, %add3A_108, %dma_wait3A_262] : memref<2x320512x128xf32, #tpu.memory_space<hbm>> -> memref<1x128x128xf32, #tpu.memory_space<hbm>>
          %dma_wait3A_264 = tpu.memref_squeeze %dma_wait3A_263 : memref<1x128x128xf32, #tpu.memory_space<hbm>> -> memref<128x128xf32, #tpu.memory_space<hbm>>
          %dma_wait3A_265 = arith.constant 0 : i32
          %dma_wait3A_266 = tpu.memref_slice %arg4[%arg0, %add3A_108, %dma_wait3A_265] : memref<2x320512x128xf32, #tpu.memory_space<hbm>> -> memref<1x128x128xf32, #tpu.memory_space<hbm>>
          %dma_wait3A_267 = tpu.memref_squeeze %dma_wait3A_266 : memref<1x128x128xf32, #tpu.memory_space<hbm>> -> memref<128x128xf32, #tpu.memory_space<hbm>>
          %dma_wait3A_268 = arith.constant 0 : i32
          %dma_wait3A_269 = arith.constant 0 : i32
          %dma_wait3A_270 = tpu.memref_slice %arg6[%run_scoped3A_109, %dma_wait3A_268, %dma_wait3A_269] : memref<2x128x128xf32, #tpu.memory_space<vmem>> -> memref<1x128x128xf32, #tpu.memory_space<vmem>>
          %dma_wait3A_271 = tpu.memref_squeeze %dma_wait3A_270 : memref<1x128x128xf32, #tpu.memory_space<vmem>> -> memref<128x128xf32, #tpu.memory_space<vmem>>
          tpu.wait_dma2 semaphore(%run_scoped3A_243 : memref<!tpu.dma_semaphore, #tpu.memory_space<semaphore_mem>>) src(%dma_wait3A_271 : memref<128x128xf32, #tpu.memory_space<vmem>>) dst(%dma_wait3A_267 : memref<128x128xf32, #tpu.memory_space<hbm>>)
          tpu.yield
        }) : () -> ()
        %dma_start3A_110 = arith.constant 4 : i32
        %dma_start3A_111 = arith.constant 0 : i32
        %dma_start3A_112 = arith.constant 0 : i32
        %dma_start3A_113 = arith.constant 0 : i32
        %dma_start3A_114 = tpu.memref_slice %arg6[%dma_start3A_111, %dma_start3A_112, %dma_start3A_113] : memref<2x128x128xf32, #tpu.memory_space<vmem>> -> memref<1x128x128xf32, #tpu.memory_space<vmem>>
        %dma_start3A_115 = tpu.memref_squeeze %dma_start3A_114 : memref<1x128x128xf32, #tpu.memory_space<vmem>> -> memref<128x128xf32, #tpu.memory_space<vmem>>
        %dma_start3A_116 = arith.constant 0 : i32
        %dma_start3A_117 = tpu.memref_slice %arg5[%dma_start3A_110, %dma_start3A_116] : memref<8x128xi32, #tpu.memory_space<vmem>> -> memref<1x128xi32, #tpu.memory_space<vmem>>
        %dma_start3A_118 = tpu.memref_squeeze %dma_start3A_117 : memref<1x128xi32, #tpu.memory_space<vmem>> -> memref<128xi32, #tpu.memory_space<vmem>>
        %dma_start3A_119 = arith.constant 0 : i32
        %dma_start3A_120 = arith.constant 0 : i32
        %dma_start3A_121 = tpu.memref_slice %arg7[%dma_start3A_119, %dma_start3A_120] : memref<10240x128xf32, #tpu.memory_space<vmem_shared>> -> memref<10240x128xf32, #tpu.memory_space<vmem_shared>>
        tpu.enqueue_indirect_dma source(%dma_start3A_121 : memref<10240x128xf32, #tpu.memory_space<vmem_shared>>) target(%dma_start3A_115 : memref<128x128xf32, #tpu.memory_space<vmem>>) offsets(%dma_start3A_118 : memref<128xi32, #tpu.memory_space<vmem>>) semaphore(%arg8 : memref<!tpu.dma_semaphore, #tpu.memory_space<semaphore_mem>>)
        %dma_wait3A_122 = arith.constant 3 : i32
        %dma_wait3A_123 = arith.constant 1 : i32
        %dma_wait3A_124 = arith.constant 0 : i32
        %dma_wait3A_125 = arith.constant 0 : i32
        %dma_wait3A_126 = tpu.memref_slice %arg6[%dma_wait3A_123, %dma_wait3A_124, %dma_wait3A_125] : memref<2x128x128xf32, #tpu.memory_space<vmem>> -> memref<1x128x128xf32, #tpu.memory_space<vmem>>
        %dma_wait3A_127 = tpu.memref_squeeze %dma_wait3A_126 : memref<1x128x128xf32, #tpu.memory_space<vmem>> -> memref<128x128xf32, #tpu.memory_space<vmem>>
        %dma_wait3A_128 = arith.constant 0 : i32
        %dma_wait3A_129 = tpu.memref_slice %arg5[%dma_wait3A_122, %dma_wait3A_128] : memref<8x128xi32, #tpu.memory_space<vmem>> -> memref<1x128xi32, #tpu.memory_space<vmem>>
        %dma_wait3A_130 = tpu.memref_squeeze %dma_wait3A_129 : memref<1x128xi32, #tpu.memory_space<vmem>> -> memref<128xi32, #tpu.memory_space<vmem>>
        %dma_wait3A_131 = arith.constant 0 : i32
        %dma_wait3A_132 = arith.constant 0 : i32
        %dma_wait3A_133 = tpu.memref_slice %arg7[%dma_wait3A_131, %dma_wait3A_132] : memref<10240x128xf32, #tpu.memory_space<vmem_shared>> -> memref<10240x128xf32, #tpu.memory_space<vmem_shared>>
        tpu.wait_indirect_dma semaphore(%arg9 : memref<!tpu.dma_semaphore, #tpu.memory_space<semaphore_mem>>) src(%dma_wait3A_133 : memref<10240x128xf32, #tpu.memory_space<vmem_shared>>) dst(%dma_wait3A_127 : memref<128x128xf32, #tpu.memory_space<vmem>>)
        %mul3A_134 = arith.constant 1024 : i32
        %mul3A_135 = arith.muli %add3A, %mul3A_134 : i32
        %add3A_136 = arith.constant 384 : i32
        %add3A_137 = arith.addi %mul3A_135, %add3A_136 : i32
        %run_scoped3A_138 = arith.constant 1 : i32
        "tpu.region"() ({
          %run_scoped3A_243 = tpu.sem_alloc : memref<!tpu.dma_semaphore, #tpu.memory_space<semaphore_mem>>
          %dma_start3A_244 = arith.constant 0 : i32
          %dma_start3A_245 = arith.constant 0 : i32
          %dma_start3A_246 = tpu.memref_slice %arg6[%run_scoped3A_138, %dma_start3A_244, %dma_start3A_245] : memref<2x128x128xf32, #tpu.memory_space<vmem>> -> memref<1x128x128xf32, #tpu.memory_space<vmem>>
          %dma_start3A_247 = tpu.memref_squeeze %dma_start3A_246 : memref<1x128x128xf32, #tpu.memory_space<vmem>> -> memref<128x128xf32, #tpu.memory_space<vmem>>
          %dma_start3A_248 = arith.constant 0 : i32
          %dma_start3A_249 = tpu.memref_slice %arg4[%arg0, %add3A_137, %dma_start3A_248] : memref<2x320512x128xf32, #tpu.memory_space<hbm>> -> memref<1x128x128xf32, #tpu.memory_space<hbm>>
          %dma_start3A_250 = tpu.memref_squeeze %dma_start3A_249 : memref<1x128x128xf32, #tpu.memory_space<hbm>> -> memref<128x128xf32, #tpu.memory_space<hbm>>
          %dma_start3A_251 = arith.constant 0 : i32
          %dma_start3A_252 = tpu.memref_slice %arg4[%arg0, %add3A_137, %dma_start3A_251] : memref<2x320512x128xf32, #tpu.memory_space<hbm>> -> memref<1x128x128xf32, #tpu.memory_space<hbm>>
          %dma_start3A_253 = tpu.memref_squeeze %dma_start3A_252 : memref<1x128x128xf32, #tpu.memory_space<hbm>> -> memref<128x128xf32, #tpu.memory_space<hbm>>
          %dma_start3A_254 = arith.constant 0 : i32
          %dma_start3A_255 = arith.constant 0 : i32
          %dma_start3A_256 = tpu.memref_slice %arg6[%run_scoped3A_138, %dma_start3A_254, %dma_start3A_255] : memref<2x128x128xf32, #tpu.memory_space<vmem>> -> memref<1x128x128xf32, #tpu.memory_space<vmem>>
          %dma_start3A_257 = tpu.memref_squeeze %dma_start3A_256 : memref<1x128x128xf32, #tpu.memory_space<vmem>> -> memref<128x128xf32, #tpu.memory_space<vmem>>
          tpu.enqueue_dma source(%dma_start3A_257 : memref<128x128xf32, #tpu.memory_space<vmem>>) target(%dma_start3A_253 : memref<128x128xf32, #tpu.memory_space<hbm>>) target_semaphore(%run_scoped3A_243 : memref<!tpu.dma_semaphore, #tpu.memory_space<semaphore_mem>>)
          %dma_wait3A_258 = arith.constant 0 : i32
          %dma_wait3A_259 = arith.constant 0 : i32
          %dma_wait3A_260 = tpu.memref_slice %arg6[%run_scoped3A_138, %dma_wait3A_258, %dma_wait3A_259] : memref<2x128x128xf32, #tpu.memory_space<vmem>> -> memref<1x128x128xf32, #tpu.memory_space<vmem>>
          %dma_wait3A_261 = tpu.memref_squeeze %dma_wait3A_260 : memref<1x128x128xf32, #tpu.memory_space<vmem>> -> memref<128x128xf32, #tpu.memory_space<vmem>>
          %dma_wait3A_262 = arith.constant 0 : i32
          %dma_wait3A_263 = tpu.memref_slice %arg4[%arg0, %add3A_137, %dma_wait3A_262] : memref<2x320512x128xf32, #tpu.memory_space<hbm>> -> memref<1x128x128xf32, #tpu.memory_space<hbm>>
          %dma_wait3A_264 = tpu.memref_squeeze %dma_wait3A_263 : memref<1x128x128xf32, #tpu.memory_space<hbm>> -> memref<128x128xf32, #tpu.memory_space<hbm>>
          %dma_wait3A_265 = arith.constant 0 : i32
          %dma_wait3A_266 = tpu.memref_slice %arg4[%arg0, %add3A_137, %dma_wait3A_265] : memref<2x320512x128xf32, #tpu.memory_space<hbm>> -> memref<1x128x128xf32, #tpu.memory_space<hbm>>
          %dma_wait3A_267 = tpu.memref_squeeze %dma_wait3A_266 : memref<1x128x128xf32, #tpu.memory_space<hbm>> -> memref<128x128xf32, #tpu.memory_space<hbm>>
          %dma_wait3A_268 = arith.constant 0 : i32
          %dma_wait3A_269 = arith.constant 0 : i32
          %dma_wait3A_270 = tpu.memref_slice %arg6[%run_scoped3A_138, %dma_wait3A_268, %dma_wait3A_269] : memref<2x128x128xf32, #tpu.memory_space<vmem>> -> memref<1x128x128xf32, #tpu.memory_space<vmem>>
          %dma_wait3A_271 = tpu.memref_squeeze %dma_wait3A_270 : memref<1x128x128xf32, #tpu.memory_space<vmem>> -> memref<128x128xf32, #tpu.memory_space<vmem>>
          tpu.wait_dma2 semaphore(%run_scoped3A_243 : memref<!tpu.dma_semaphore, #tpu.memory_space<semaphore_mem>>) src(%dma_wait3A_271 : memref<128x128xf32, #tpu.memory_space<vmem>>) dst(%dma_wait3A_267 : memref<128x128xf32, #tpu.memory_space<hbm>>)
          tpu.yield
        }) : () -> ()
        %dma_start3A_139 = arith.constant 5 : i32
        %dma_start3A_140 = arith.constant 1 : i32
        %dma_start3A_141 = arith.constant 0 : i32
        %dma_start3A_142 = arith.constant 0 : i32
        %dma_start3A_143 = tpu.memref_slice %arg6[%dma_start3A_140, %dma_start3A_141, %dma_start3A_142] : memref<2x128x128xf32, #tpu.memory_space<vmem>> -> memref<1x128x128xf32, #tpu.memory_space<vmem>>
        %dma_start3A_144 = tpu.memref_squeeze %dma_start3A_143 : memref<1x128x128xf32, #tpu.memory_space<vmem>> -> memref<128x128xf32, #tpu.memory_space<vmem>>
        %dma_start3A_145 = arith.constant 0 : i32
        %dma_start3A_146 = tpu.memref_slice %arg5[%dma_start3A_139, %dma_start3A_145] : memref<8x128xi32, #tpu.memory_space<vmem>> -> memref<1x128xi32, #tpu.memory_space<vmem>>
        %dma_start3A_147 = tpu.memref_squeeze %dma_start3A_146 : memref<1x128xi32, #tpu.memory_space<vmem>> -> memref<128xi32, #tpu.memory_space<vmem>>
        %dma_start3A_148 = arith.constant 0 : i32
        %dma_start3A_149 = arith.constant 0 : i32
        %dma_start3A_150 = tpu.memref_slice %arg7[%dma_start3A_148, %dma_start3A_149] : memref<10240x128xf32, #tpu.memory_space<vmem_shared>> -> memref<10240x128xf32, #tpu.memory_space<vmem_shared>>
        tpu.enqueue_indirect_dma source(%dma_start3A_150 : memref<10240x128xf32, #tpu.memory_space<vmem_shared>>) target(%dma_start3A_144 : memref<128x128xf32, #tpu.memory_space<vmem>>) offsets(%dma_start3A_147 : memref<128xi32, #tpu.memory_space<vmem>>) semaphore(%arg9 : memref<!tpu.dma_semaphore, #tpu.memory_space<semaphore_mem>>)
        %dma_wait3A_151 = arith.constant 4 : i32
        %dma_wait3A_152 = arith.constant 0 : i32
        %dma_wait3A_153 = arith.constant 0 : i32
        %dma_wait3A_154 = arith.constant 0 : i32
        %dma_wait3A_155 = tpu.memref_slice %arg6[%dma_wait3A_152, %dma_wait3A_153, %dma_wait3A_154] : memref<2x128x128xf32, #tpu.memory_space<vmem>> -> memref<1x128x128xf32, #tpu.memory_space<vmem>>
        %dma_wait3A_156 = tpu.memref_squeeze %dma_wait3A_155 : memref<1x128x128xf32, #tpu.memory_space<vmem>> -> memref<128x128xf32, #tpu.memory_space<vmem>>
        %dma_wait3A_157 = arith.constant 0 : i32
        %dma_wait3A_158 = tpu.memref_slice %arg5[%dma_wait3A_151, %dma_wait3A_157] : memref<8x128xi32, #tpu.memory_space<vmem>> -> memref<1x128xi32, #tpu.memory_space<vmem>>
        %dma_wait3A_159 = tpu.memref_squeeze %dma_wait3A_158 : memref<1x128xi32, #tpu.memory_space<vmem>> -> memref<128xi32, #tpu.memory_space<vmem>>
        %dma_wait3A_160 = arith.constant 0 : i32
        %dma_wait3A_161 = arith.constant 0 : i32
        %dma_wait3A_162 = tpu.memref_slice %arg7[%dma_wait3A_160, %dma_wait3A_161] : memref<10240x128xf32, #tpu.memory_space<vmem_shared>> -> memref<10240x128xf32, #tpu.memory_space<vmem_shared>>
        tpu.wait_indirect_dma semaphore(%arg8 : memref<!tpu.dma_semaphore, #tpu.memory_space<semaphore_mem>>) src(%dma_wait3A_162 : memref<10240x128xf32, #tpu.memory_space<vmem_shared>>) dst(%dma_wait3A_156 : memref<128x128xf32, #tpu.memory_space<vmem>>)
        %mul3A_163 = arith.constant 1024 : i32
        %mul3A_164 = arith.muli %add3A, %mul3A_163 : i32
        %add3A_165 = arith.constant 512 : i32
        %add3A_166 = arith.addi %mul3A_164, %add3A_165 : i32
        %run_scoped3A_167 = arith.constant 0 : i32
        "tpu.region"() ({
          %run_scoped3A_243 = tpu.sem_alloc : memref<!tpu.dma_semaphore, #tpu.memory_space<semaphore_mem>>
          %dma_start3A_244 = arith.constant 0 : i32
          %dma_start3A_245 = arith.constant 0 : i32
          %dma_start3A_246 = tpu.memref_slice %arg6[%run_scoped3A_167, %dma_start3A_244, %dma_start3A_245] : memref<2x128x128xf32, #tpu.memory_space<vmem>> -> memref<1x128x128xf32, #tpu.memory_space<vmem>>
          %dma_start3A_247 = tpu.memref_squeeze %dma_start3A_246 : memref<1x128x128xf32, #tpu.memory_space<vmem>> -> memref<128x128xf32, #tpu.memory_space<vmem>>
          %dma_start3A_248 = arith.constant 0 : i32
          %dma_start3A_249 = tpu.memref_slice %arg4[%arg0, %add3A_166, %dma_start3A_248] : memref<2x320512x128xf32, #tpu.memory_space<hbm>> -> memref<1x128x128xf32, #tpu.memory_space<hbm>>
          %dma_start3A_250 = tpu.memref_squeeze %dma_start3A_249 : memref<1x128x128xf32, #tpu.memory_space<hbm>> -> memref<128x128xf32, #tpu.memory_space<hbm>>
          %dma_start3A_251 = arith.constant 0 : i32
          %dma_start3A_252 = tpu.memref_slice %arg4[%arg0, %add3A_166, %dma_start3A_251] : memref<2x320512x128xf32, #tpu.memory_space<hbm>> -> memref<1x128x128xf32, #tpu.memory_space<hbm>>
          %dma_start3A_253 = tpu.memref_squeeze %dma_start3A_252 : memref<1x128x128xf32, #tpu.memory_space<hbm>> -> memref<128x128xf32, #tpu.memory_space<hbm>>
          %dma_start3A_254 = arith.constant 0 : i32
          %dma_start3A_255 = arith.constant 0 : i32
          %dma_start3A_256 = tpu.memref_slice %arg6[%run_scoped3A_167, %dma_start3A_254, %dma_start3A_255] : memref<2x128x128xf32, #tpu.memory_space<vmem>> -> memref<1x128x128xf32, #tpu.memory_space<vmem>>
          %dma_start3A_257 = tpu.memref_squeeze %dma_start3A_256 : memref<1x128x128xf32, #tpu.memory_space<vmem>> -> memref<128x128xf32, #tpu.memory_space<vmem>>
          tpu.enqueue_dma source(%dma_start3A_257 : memref<128x128xf32, #tpu.memory_space<vmem>>) target(%dma_start3A_253 : memref<128x128xf32, #tpu.memory_space<hbm>>) target_semaphore(%run_scoped3A_243 : memref<!tpu.dma_semaphore, #tpu.memory_space<semaphore_mem>>)
          %dma_wait3A_258 = arith.constant 0 : i32
          %dma_wait3A_259 = arith.constant 0 : i32
          %dma_wait3A_260 = tpu.memref_slice %arg6[%run_scoped3A_167, %dma_wait3A_258, %dma_wait3A_259] : memref<2x128x128xf32, #tpu.memory_space<vmem>> -> memref<1x128x128xf32, #tpu.memory_space<vmem>>
          %dma_wait3A_261 = tpu.memref_squeeze %dma_wait3A_260 : memref<1x128x128xf32, #tpu.memory_space<vmem>> -> memref<128x128xf32, #tpu.memory_space<vmem>>
          %dma_wait3A_262 = arith.constant 0 : i32
          %dma_wait3A_263 = tpu.memref_slice %arg4[%arg0, %add3A_166, %dma_wait3A_262] : memref<2x320512x128xf32, #tpu.memory_space<hbm>> -> memref<1x128x128xf32, #tpu.memory_space<hbm>>
          %dma_wait3A_264 = tpu.memref_squeeze %dma_wait3A_263 : memref<1x128x128xf32, #tpu.memory_space<hbm>> -> memref<128x128xf32, #tpu.memory_space<hbm>>
          %dma_wait3A_265 = arith.constant 0 : i32
          %dma_wait3A_266 = tpu.memref_slice %arg4[%arg0, %add3A_166, %dma_wait3A_265] : memref<2x320512x128xf32, #tpu.memory_space<hbm>> -> memref<1x128x128xf32, #tpu.memory_space<hbm>>
          %dma_wait3A_267 = tpu.memref_squeeze %dma_wait3A_266 : memref<1x128x128xf32, #tpu.memory_space<hbm>> -> memref<128x128xf32, #tpu.memory_space<hbm>>
          %dma_wait3A_268 = arith.constant 0 : i32
          %dma_wait3A_269 = arith.constant 0 : i32
          %dma_wait3A_270 = tpu.memref_slice %arg6[%run_scoped3A_167, %dma_wait3A_268, %dma_wait3A_269] : memref<2x128x128xf32, #tpu.memory_space<vmem>> -> memref<1x128x128xf32, #tpu.memory_space<vmem>>
          %dma_wait3A_271 = tpu.memref_squeeze %dma_wait3A_270 : memref<1x128x128xf32, #tpu.memory_space<vmem>> -> memref<128x128xf32, #tpu.memory_space<vmem>>
          tpu.wait_dma2 semaphore(%run_scoped3A_243 : memref<!tpu.dma_semaphore, #tpu.memory_space<semaphore_mem>>) src(%dma_wait3A_271 : memref<128x128xf32, #tpu.memory_space<vmem>>) dst(%dma_wait3A_267 : memref<128x128xf32, #tpu.memory_space<hbm>>)
          tpu.yield
        }) : () -> ()
        %dma_start3A_168 = arith.constant 6 : i32
        %dma_start3A_169 = arith.constant 0 : i32
        %dma_start3A_170 = arith.constant 0 : i32
        %dma_start3A_171 = arith.constant 0 : i32
        %dma_start3A_172 = tpu.memref_slice %arg6[%dma_start3A_169, %dma_start3A_170, %dma_start3A_171] : memref<2x128x128xf32, #tpu.memory_space<vmem>> -> memref<1x128x128xf32, #tpu.memory_space<vmem>>
        %dma_start3A_173 = tpu.memref_squeeze %dma_start3A_172 : memref<1x128x128xf32, #tpu.memory_space<vmem>> -> memref<128x128xf32, #tpu.memory_space<vmem>>
        %dma_start3A_174 = arith.constant 0 : i32
        %dma_start3A_175 = tpu.memref_slice %arg5[%dma_start3A_168, %dma_start3A_174] : memref<8x128xi32, #tpu.memory_space<vmem>> -> memref<1x128xi32, #tpu.memory_space<vmem>>
        %dma_start3A_176 = tpu.memref_squeeze %dma_start3A_175 : memref<1x128xi32, #tpu.memory_space<vmem>> -> memref<128xi32, #tpu.memory_space<vmem>>
        %dma_start3A_177 = arith.constant 0 : i32
        %dma_start3A_178 = arith.constant 0 : i32
        %dma_start3A_179 = tpu.memref_slice %arg7[%dma_start3A_177, %dma_start3A_178] : memref<10240x128xf32, #tpu.memory_space<vmem_shared>> -> memref<10240x128xf32, #tpu.memory_space<vmem_shared>>
        tpu.enqueue_indirect_dma source(%dma_start3A_179 : memref<10240x128xf32, #tpu.memory_space<vmem_shared>>) target(%dma_start3A_173 : memref<128x128xf32, #tpu.memory_space<vmem>>) offsets(%dma_start3A_176 : memref<128xi32, #tpu.memory_space<vmem>>) semaphore(%arg8 : memref<!tpu.dma_semaphore, #tpu.memory_space<semaphore_mem>>)
        %dma_wait3A_180 = arith.constant 5 : i32
        %dma_wait3A_181 = arith.constant 1 : i32
        %dma_wait3A_182 = arith.constant 0 : i32
        %dma_wait3A_183 = arith.constant 0 : i32
        %dma_wait3A_184 = tpu.memref_slice %arg6[%dma_wait3A_181, %dma_wait3A_182, %dma_wait3A_183] : memref<2x128x128xf32, #tpu.memory_space<vmem>> -> memref<1x128x128xf32, #tpu.memory_space<vmem>>
        %dma_wait3A_185 = tpu.memref_squeeze %dma_wait3A_184 : memref<1x128x128xf32, #tpu.memory_space<vmem>> -> memref<128x128xf32, #tpu.memory_space<vmem>>
        %dma_wait3A_186 = arith.constant 0 : i32
        %dma_wait3A_187 = tpu.memref_slice %arg5[%dma_wait3A_180, %dma_wait3A_186] : memref<8x128xi32, #tpu.memory_space<vmem>> -> memref<1x128xi32, #tpu.memory_space<vmem>>
        %dma_wait3A_188 = tpu.memref_squeeze %dma_wait3A_187 : memref<1x128xi32, #tpu.memory_space<vmem>> -> memref<128xi32, #tpu.memory_space<vmem>>
        %dma_wait3A_189 = arith.constant 0 : i32
        %dma_wait3A_190 = arith.constant 0 : i32
        %dma_wait3A_191 = tpu.memref_slice %arg7[%dma_wait3A_189, %dma_wait3A_190] : memref<10240x128xf32, #tpu.memory_space<vmem_shared>> -> memref<10240x128xf32, #tpu.memory_space<vmem_shared>>
        tpu.wait_indirect_dma semaphore(%arg9 : memref<!tpu.dma_semaphore, #tpu.memory_space<semaphore_mem>>) src(%dma_wait3A_191 : memref<10240x128xf32, #tpu.memory_space<vmem_shared>>) dst(%dma_wait3A_185 : memref<128x128xf32, #tpu.memory_space<vmem>>)
        %mul3A_192 = arith.constant 1024 : i32
        %mul3A_193 = arith.muli %add3A, %mul3A_192 : i32
        %add3A_194 = arith.constant 640 : i32
        %add3A_195 = arith.addi %mul3A_193, %add3A_194 : i32
        %run_scoped3A_196 = arith.constant 1 : i32
        "tpu.region"() ({
          %run_scoped3A_243 = tpu.sem_alloc : memref<!tpu.dma_semaphore, #tpu.memory_space<semaphore_mem>>
          %dma_start3A_244 = arith.constant 0 : i32
          %dma_start3A_245 = arith.constant 0 : i32
          %dma_start3A_246 = tpu.memref_slice %arg6[%run_scoped3A_196, %dma_start3A_244, %dma_start3A_245] : memref<2x128x128xf32, #tpu.memory_space<vmem>> -> memref<1x128x128xf32, #tpu.memory_space<vmem>>
          %dma_start3A_247 = tpu.memref_squeeze %dma_start3A_246 : memref<1x128x128xf32, #tpu.memory_space<vmem>> -> memref<128x128xf32, #tpu.memory_space<vmem>>
          %dma_start3A_248 = arith.constant 0 : i32
          %dma_start3A_249 = tpu.memref_slice %arg4[%arg0, %add3A_195, %dma_start3A_248] : memref<2x320512x128xf32, #tpu.memory_space<hbm>> -> memref<1x128x128xf32, #tpu.memory_space<hbm>>
          %dma_start3A_250 = tpu.memref_squeeze %dma_start3A_249 : memref<1x128x128xf32, #tpu.memory_space<hbm>> -> memref<128x128xf32, #tpu.memory_space<hbm>>
          %dma_start3A_251 = arith.constant 0 : i32
          %dma_start3A_252 = tpu.memref_slice %arg4[%arg0, %add3A_195, %dma_start3A_251] : memref<2x320512x128xf32, #tpu.memory_space<hbm>> -> memref<1x128x128xf32, #tpu.memory_space<hbm>>
          %dma_start3A_253 = tpu.memref_squeeze %dma_start3A_252 : memref<1x128x128xf32, #tpu.memory_space<hbm>> -> memref<128x128xf32, #tpu.memory_space<hbm>>
          %dma_start3A_254 = arith.constant 0 : i32
          %dma_start3A_255 = arith.constant 0 : i32
          %dma_start3A_256 = tpu.memref_slice %arg6[%run_scoped3A_196, %dma_start3A_254, %dma_start3A_255] : memref<2x128x128xf32, #tpu.memory_space<vmem>> -> memref<1x128x128xf32, #tpu.memory_space<vmem>>
          %dma_start3A_257 = tpu.memref_squeeze %dma_start3A_256 : memref<1x128x128xf32, #tpu.memory_space<vmem>> -> memref<128x128xf32, #tpu.memory_space<vmem>>
          tpu.enqueue_dma source(%dma_start3A_257 : memref<128x128xf32, #tpu.memory_space<vmem>>) target(%dma_start3A_253 : memref<128x128xf32, #tpu.memory_space<hbm>>) target_semaphore(%run_scoped3A_243 : memref<!tpu.dma_semaphore, #tpu.memory_space<semaphore_mem>>)
          %dma_wait3A_258 = arith.constant 0 : i32
          %dma_wait3A_259 = arith.constant 0 : i32
          %dma_wait3A_260 = tpu.memref_slice %arg6[%run_scoped3A_196, %dma_wait3A_258, %dma_wait3A_259] : memref<2x128x128xf32, #tpu.memory_space<vmem>> -> memref<1x128x128xf32, #tpu.memory_space<vmem>>
          %dma_wait3A_261 = tpu.memref_squeeze %dma_wait3A_260 : memref<1x128x128xf32, #tpu.memory_space<vmem>> -> memref<128x128xf32, #tpu.memory_space<vmem>>
          %dma_wait3A_262 = arith.constant 0 : i32
          %dma_wait3A_263 = tpu.memref_slice %arg4[%arg0, %add3A_195, %dma_wait3A_262] : memref<2x320512x128xf32, #tpu.memory_space<hbm>> -> memref<1x128x128xf32, #tpu.memory_space<hbm>>
          %dma_wait3A_264 = tpu.memref_squeeze %dma_wait3A_263 : memref<1x128x128xf32, #tpu.memory_space<hbm>> -> memref<128x128xf32, #tpu.memory_space<hbm>>
          %dma_wait3A_265 = arith.constant 0 : i32
          %dma_wait3A_266 = tpu.memref_slice %arg4[%arg0, %add3A_195, %dma_wait3A_265] : memref<2x320512x128xf32, #tpu.memory_space<hbm>> -> memref<1x128x128xf32, #tpu.memory_space<hbm>>
          %dma_wait3A_267 = tpu.memref_squeeze %dma_wait3A_266 : memref<1x128x128xf32, #tpu.memory_space<hbm>> -> memref<128x128xf32, #tpu.memory_space<hbm>>
          %dma_wait3A_268 = arith.constant 0 : i32
          %dma_wait3A_269 = arith.constant 0 : i32
          %dma_wait3A_270 = tpu.memref_slice %arg6[%run_scoped3A_196, %dma_wait3A_268, %dma_wait3A_269] : memref<2x128x128xf32, #tpu.memory_space<vmem>> -> memref<1x128x128xf32, #tpu.memory_space<vmem>>
          %dma_wait3A_271 = tpu.memref_squeeze %dma_wait3A_270 : memref<1x128x128xf32, #tpu.memory_space<vmem>> -> memref<128x128xf32, #tpu.memory_space<vmem>>
          tpu.wait_dma2 semaphore(%run_scoped3A_243 : memref<!tpu.dma_semaphore, #tpu.memory_space<semaphore_mem>>) src(%dma_wait3A_271 : memref<128x128xf32, #tpu.memory_space<vmem>>) dst(%dma_wait3A_267 : memref<128x128xf32, #tpu.memory_space<hbm>>)
          tpu.yield
        }) : () -> ()
        %dma_start3A_197 = arith.constant 7 : i32
        %dma_start3A_198 = arith.constant 1 : i32
        %dma_start3A_199 = arith.constant 0 : i32
        %dma_start3A_200 = arith.constant 0 : i32
        %dma_start3A_201 = tpu.memref_slice %arg6[%dma_start3A_198, %dma_start3A_199, %dma_start3A_200] : memref<2x128x128xf32, #tpu.memory_space<vmem>> -> memref<1x128x128xf32, #tpu.memory_space<vmem>>
        %dma_start3A_202 = tpu.memref_squeeze %dma_start3A_201 : memref<1x128x128xf32, #tpu.memory_space<vmem>> -> memref<128x128xf32, #tpu.memory_space<vmem>>
        %dma_start3A_203 = arith.constant 0 : i32
        %dma_start3A_204 = tpu.memref_slice %arg5[%dma_start3A_197, %dma_start3A_203] : memref<8x128xi32, #tpu.memory_space<vmem>> -> memref<1x128xi32, #tpu.memory_space<vmem>>
        %dma_start3A_205 = tpu.memref_squeeze %dma_start3A_204 : memref<1x128xi32, #tpu.memory_space<vmem>> -> memref<128xi32, #tpu.memory_space<vmem>>
        %dma_start3A_206 = arith.constant 0 : i32
        %dma_start3A_207 = arith.constant 0 : i32
        %dma_start3A_208 = tpu.memref_slice %arg7[%dma_start3A_206, %dma_start3A_207] : memref<10240x128xf32, #tpu.memory_space<vmem_shared>> -> memref<10240x128xf32, #tpu.memory_space<vmem_shared>>
        tpu.enqueue_indirect_dma source(%dma_start3A_208 : memref<10240x128xf32, #tpu.memory_space<vmem_shared>>) target(%dma_start3A_202 : memref<128x128xf32, #tpu.memory_space<vmem>>) offsets(%dma_start3A_205 : memref<128xi32, #tpu.memory_space<vmem>>) semaphore(%arg9 : memref<!tpu.dma_semaphore, #tpu.memory_space<semaphore_mem>>)
        %dma_wait3A_209 = arith.constant 6 : i32
        %dma_wait3A_210 = arith.constant 0 : i32
        %dma_wait3A_211 = arith.constant 0 : i32
        %dma_wait3A_212 = arith.constant 0 : i32
        %dma_wait3A_213 = tpu.memref_slice %arg6[%dma_wait3A_210, %dma_wait3A_211, %dma_wait3A_212] : memref<2x128x128xf32, #tpu.memory_space<vmem>> -> memref<1x128x128xf32, #tpu.memory_space<vmem>>
        %dma_wait3A_214 = tpu.memref_squeeze %dma_wait3A_213 : memref<1x128x128xf32, #tpu.memory_space<vmem>> -> memref<128x128xf32, #tpu.memory_space<vmem>>
        %dma_wait3A_215 = arith.constant 0 : i32
        %dma_wait3A_216 = tpu.memref_slice %arg5[%dma_wait3A_209, %dma_wait3A_215] : memref<8x128xi32, #tpu.memory_space<vmem>> -> memref<1x128xi32, #tpu.memory_space<vmem>>
        %dma_wait3A_217 = tpu.memref_squeeze %dma_wait3A_216 : memref<1x128xi32, #tpu.memory_space<vmem>> -> memref<128xi32, #tpu.memory_space<vmem>>
        %dma_wait3A_218 = arith.constant 0 : i32
        %dma_wait3A_219 = arith.constant 0 : i32
        %dma_wait3A_220 = tpu.memref_slice %arg7[%dma_wait3A_218, %dma_wait3A_219] : memref<10240x128xf32, #tpu.memory_space<vmem_shared>> -> memref<10240x128xf32, #tpu.memory_space<vmem_shared>>
        tpu.wait_indirect_dma semaphore(%arg8 : memref<!tpu.dma_semaphore, #tpu.memory_space<semaphore_mem>>) src(%dma_wait3A_220 : memref<10240x128xf32, #tpu.memory_space<vmem_shared>>) dst(%dma_wait3A_214 : memref<128x128xf32, #tpu.memory_space<vmem>>)
        %mul3A_221 = arith.constant 1024 : i32
        %mul3A_222 = arith.muli %add3A, %mul3A_221 : i32
        %add3A_223 = arith.constant 768 : i32
        %add3A_224 = arith.addi %mul3A_222, %add3A_223 : i32
        %run_scoped3A_225 = arith.constant 0 : i32
        "tpu.region"() ({
          %run_scoped3A_243 = tpu.sem_alloc : memref<!tpu.dma_semaphore, #tpu.memory_space<semaphore_mem>>
          %dma_start3A_244 = arith.constant 0 : i32
          %dma_start3A_245 = arith.constant 0 : i32
          %dma_start3A_246 = tpu.memref_slice %arg6[%run_scoped3A_225, %dma_start3A_244, %dma_start3A_245] : memref<2x128x128xf32, #tpu.memory_space<vmem>> -> memref<1x128x128xf32, #tpu.memory_space<vmem>>
          %dma_start3A_247 = tpu.memref_squeeze %dma_start3A_246 : memref<1x128x128xf32, #tpu.memory_space<vmem>> -> memref<128x128xf32, #tpu.memory_space<vmem>>
          %dma_start3A_248 = arith.constant 0 : i32
          %dma_start3A_249 = tpu.memref_slice %arg4[%arg0, %add3A_224, %dma_start3A_248] : memref<2x320512x128xf32, #tpu.memory_space<hbm>> -> memref<1x128x128xf32, #tpu.memory_space<hbm>>
          %dma_start3A_250 = tpu.memref_squeeze %dma_start3A_249 : memref<1x128x128xf32, #tpu.memory_space<hbm>> -> memref<128x128xf32, #tpu.memory_space<hbm>>
          %dma_start3A_251 = arith.constant 0 : i32
          %dma_start3A_252 = tpu.memref_slice %arg4[%arg0, %add3A_224, %dma_start3A_251] : memref<2x320512x128xf32, #tpu.memory_space<hbm>> -> memref<1x128x128xf32, #tpu.memory_space<hbm>>
          %dma_start3A_253 = tpu.memref_squeeze %dma_start3A_252 : memref<1x128x128xf32, #tpu.memory_space<hbm>> -> memref<128x128xf32, #tpu.memory_space<hbm>>
          %dma_start3A_254 = arith.constant 0 : i32
          %dma_start3A_255 = arith.constant 0 : i32
          %dma_start3A_256 = tpu.memref_slice %arg6[%run_scoped3A_225, %dma_start3A_254, %dma_start3A_255] : memref<2x128x128xf32, #tpu.memory_space<vmem>> -> memref<1x128x128xf32, #tpu.memory_space<vmem>>
          %dma_start3A_257 = tpu.memref_squeeze %dma_start3A_256 : memref<1x128x128xf32, #tpu.memory_space<vmem>> -> memref<128x128xf32, #tpu.memory_space<vmem>>
          tpu.enqueue_dma source(%dma_start3A_257 : memref<128x128xf32, #tpu.memory_space<vmem>>) target(%dma_start3A_253 : memref<128x128xf32, #tpu.memory_space<hbm>>) target_semaphore(%run_scoped3A_243 : memref<!tpu.dma_semaphore, #tpu.memory_space<semaphore_mem>>)
          %dma_wait3A_258 = arith.constant 0 : i32
          %dma_wait3A_259 = arith.constant 0 : i32
          %dma_wait3A_260 = tpu.memref_slice %arg6[%run_scoped3A_225, %dma_wait3A_258, %dma_wait3A_259] : memref<2x128x128xf32, #tpu.memory_space<vmem>> -> memref<1x128x128xf32, #tpu.memory_space<vmem>>
          %dma_wait3A_261 = tpu.memref_squeeze %dma_wait3A_260 : memref<1x128x128xf32, #tpu.memory_space<vmem>> -> memref<128x128xf32, #tpu.memory_space<vmem>>
          %dma_wait3A_262 = arith.constant 0 : i32
          %dma_wait3A_263 = tpu.memref_slice %arg4[%arg0, %add3A_224, %dma_wait3A_262] : memref<2x320512x128xf32, #tpu.memory_space<hbm>> -> memref<1x128x128xf32, #tpu.memory_space<hbm>>
          %dma_wait3A_264 = tpu.memref_squeeze %dma_wait3A_263 : memref<1x128x128xf32, #tpu.memory_space<hbm>> -> memref<128x128xf32, #tpu.memory_space<hbm>>
          %dma_wait3A_265 = arith.constant 0 : i32
          %dma_wait3A_266 = tpu.memref_slice %arg4[%arg0, %add3A_224, %dma_wait3A_265] : memref<2x320512x128xf32, #tpu.memory_space<hbm>> -> memref<1x128x128xf32, #tpu.memory_space<hbm>>
          %dma_wait3A_267 = tpu.memref_squeeze %dma_wait3A_266 : memref<1x128x128xf32, #tpu.memory_space<hbm>> -> memref<128x128xf32, #tpu.memory_space<hbm>>
          %dma_wait3A_268 = arith.constant 0 : i32
          %dma_wait3A_269 = arith.constant 0 : i32
          %dma_wait3A_270 = tpu.memref_slice %arg6[%run_scoped3A_225, %dma_wait3A_268, %dma_wait3A_269] : memref<2x128x128xf32, #tpu.memory_space<vmem>> -> memref<1x128x128xf32, #tpu.memory_space<vmem>>
          %dma_wait3A_271 = tpu.memref_squeeze %dma_wait3A_270 : memref<1x128x128xf32, #tpu.memory_space<vmem>> -> memref<128x128xf32, #tpu.memory_space<vmem>>
          tpu.wait_dma2 semaphore(%run_scoped3A_243 : memref<!tpu.dma_semaphore, #tpu.memory_space<semaphore_mem>>) src(%dma_wait3A_271 : memref<128x128xf32, #tpu.memory_space<vmem>>) dst(%dma_wait3A_267 : memref<128x128xf32, #tpu.memory_space<hbm>>)
          tpu.yield
        }) : () -> ()
        %dma_wait3A_226 = arith.constant 7 : i32
        %dma_wait3A_227 = arith.constant 1 : i32
        %dma_wait3A_228 = arith.constant 0 : i32
        %dma_wait3A_229 = arith.constant 0 : i32
        %dma_wait3A_230 = tpu.memref_slice %arg6[%dma_wait3A_227, %dma_wait3A_228, %dma_wait3A_229] : memref<2x128x128xf32, #tpu.memory_space<vmem>> -> memref<1x128x128xf32, #tpu.memory_space<vmem>>
        %dma_wait3A_231 = tpu.memref_squeeze %dma_wait3A_230 : memref<1x128x128xf32, #tpu.memory_space<vmem>> -> memref<128x128xf32, #tpu.memory_space<vmem>>
        %dma_wait3A_232 = arith.constant 0 : i32
        %dma_wait3A_233 = tpu.memref_slice %arg5[%dma_wait3A_226, %dma_wait3A_232] : memref<8x128xi32, #tpu.memory_space<vmem>> -> memref<1x128xi32, #tpu.memory_space<vmem>>
        %dma_wait3A_234 = tpu.memref_squeeze %dma_wait3A_233 : memref<1x128xi32, #tpu.memory_space<vmem>> -> memref<128xi32, #tpu.memory_space<vmem>>
        %dma_wait3A_235 = arith.constant 0 : i32
        %dma_wait3A_236 = arith.constant 0 : i32
        %dma_wait3A_237 = tpu.memref_slice %arg7[%dma_wait3A_235, %dma_wait3A_236] : memref<10240x128xf32, #tpu.memory_space<vmem_shared>> -> memref<10240x128xf32, #tpu.memory_space<vmem_shared>>
        tpu.wait_indirect_dma semaphore(%arg9 : memref<!tpu.dma_semaphore, #tpu.memory_space<semaphore_mem>>) src(%dma_wait3A_237 : memref<10240x128xf32, #tpu.memory_space<vmem_shared>>) dst(%dma_wait3A_231 : memref<128x128xf32, #tpu.memory_space<vmem>>)
        %mul3A_238 = arith.constant 1024 : i32
        %mul3A_239 = arith.muli %add3A, %mul3A_238 : i32
        %add3A_240 = arith.constant 896 : i32
        %add3A_241 = arith.addi %mul3A_239, %add3A_240 : i32
        %run_scoped3A_242 = arith.constant 1 : i32
        "tpu.region"() ({
          %run_scoped3A_243 = tpu.sem_alloc : memref<!tpu.dma_semaphore, #tpu.memory_space<semaphore_mem>>
          %dma_start3A_244 = arith.constant 0 : i32
          %dma_start3A_245 = arith.constant 0 : i32
          %dma_start3A_246 = tpu.memref_slice %arg6[%run_scoped3A_242, %dma_start3A_244, %dma_start3A_245] : memref<2x128x128xf32, #tpu.memory_space<vmem>> -> memref<1x128x128xf32, #tpu.memory_space<vmem>>
          %dma_start3A_247 = tpu.memref_squeeze %dma_start3A_246 : memref<1x128x128xf32, #tpu.memory_space<vmem>> -> memref<128x128xf32, #tpu.memory_space<vmem>>
          %dma_start3A_248 = arith.constant 0 : i32
          %dma_start3A_249 = tpu.memref_slice %arg4[%arg0, %add3A_241, %dma_start3A_248] : memref<2x320512x128xf32, #tpu.memory_space<hbm>> -> memref<1x128x128xf32, #tpu.memory_space<hbm>>
          %dma_start3A_250 = tpu.memref_squeeze %dma_start3A_249 : memref<1x128x128xf32, #tpu.memory_space<hbm>> -> memref<128x128xf32, #tpu.memory_space<hbm>>
          %dma_start3A_251 = arith.constant 0 : i32
          %dma_start3A_252 = tpu.memref_slice %arg4[%arg0, %add3A_241, %dma_start3A_251] : memref<2x320512x128xf32, #tpu.memory_space<hbm>> -> memref<1x128x128xf32, #tpu.memory_space<hbm>>
          %dma_start3A_253 = tpu.memref_squeeze %dma_start3A_252 : memref<1x128x128xf32, #tpu.memory_space<hbm>> -> memref<128x128xf32, #tpu.memory_space<hbm>>
          %dma_start3A_254 = arith.constant 0 : i32
          %dma_start3A_255 = arith.constant 0 : i32
          %dma_start3A_256 = tpu.memref_slice %arg6[%run_scoped3A_242, %dma_start3A_254, %dma_start3A_255] : memref<2x128x128xf32, #tpu.memory_space<vmem>> -> memref<1x128x128xf32, #tpu.memory_space<vmem>>
          %dma_start3A_257 = tpu.memref_squeeze %dma_start3A_256 : memref<1x128x128xf32, #tpu.memory_space<vmem>> -> memref<128x128xf32, #tpu.memory_space<vmem>>
          tpu.enqueue_dma source(%dma_start3A_257 : memref<128x128xf32, #tpu.memory_space<vmem>>) target(%dma_start3A_253 : memref<128x128xf32, #tpu.memory_space<hbm>>) target_semaphore(%run_scoped3A_243 : memref<!tpu.dma_semaphore, #tpu.memory_space<semaphore_mem>>)
          %dma_wait3A_258 = arith.constant 0 : i32
          %dma_wait3A_259 = arith.constant 0 : i32
          %dma_wait3A_260 = tpu.memref_slice %arg6[%run_scoped3A_242, %dma_wait3A_258, %dma_wait3A_259] : memref<2x128x128xf32, #tpu.memory_space<vmem>> -> memref<1x128x128xf32, #tpu.memory_space<vmem>>
          %dma_wait3A_261 = tpu.memref_squeeze %dma_wait3A_260 : memref<1x128x128xf32, #tpu.memory_space<vmem>> -> memref<128x128xf32, #tpu.memory_space<vmem>>
          %dma_wait3A_262 = arith.constant 0 : i32
          %dma_wait3A_263 = tpu.memref_slice %arg4[%arg0, %add3A_241, %dma_wait3A_262] : memref<2x320512x128xf32, #tpu.memory_space<hbm>> -> memref<1x128x128xf32, #tpu.memory_space<hbm>>
          %dma_wait3A_264 = tpu.memref_squeeze %dma_wait3A_263 : memref<1x128x128xf32, #tpu.memory_space<hbm>> -> memref<128x128xf32, #tpu.memory_space<hbm>>
          %dma_wait3A_265 = arith.constant 0 : i32
          %dma_wait3A_266 = tpu.memref_slice %arg4[%arg0, %add3A_241, %dma_wait3A_265] : memref<2x320512x128xf32, #tpu.memory_space<hbm>> -> memref<1x128x128xf32, #tpu.memory_space<hbm>>
          %dma_wait3A_267 = tpu.memref_squeeze %dma_wait3A_266 : memref<1x128x128xf32, #tpu.memory_space<hbm>> -> memref<128x128xf32, #tpu.memory_space<hbm>>
          %dma_wait3A_268 = arith.constant 0 : i32
          %dma_wait3A_269 = arith.constant 0 : i32
          %dma_wait3A_270 = tpu.memref_slice %arg6[%run_scoped3A_242, %dma_wait3A_268, %dma_wait3A_269] : memref<2x128x128xf32, #tpu.memory_space<vmem>> -> memref<1x128x128xf32, #tpu.memory_space<vmem>>
          %dma_wait3A_271 = tpu.memref_squeeze %dma_wait3A_270 : memref<1x128x128xf32, #tpu.memory_space<vmem>> -> memref<128x128xf32, #tpu.memory_space<vmem>>
          tpu.wait_dma2 semaphore(%run_scoped3A_243 : memref<!tpu.dma_semaphore, #tpu.memory_space<semaphore_mem>>) src(%dma_wait3A_271 : memref<128x128xf32, #tpu.memory_space<vmem>>) dst(%dma_wait3A_267 : memref<128x128xf32, #tpu.memory_space<hbm>>)
          tpu.yield
        }) : () -> ()
      } else {
      }
    }
    %scan3A_5 = arith.constant 20 : i32
    return
  }
}

#map = affine_map<(d0, d1) -> (0, 0)>
#map1 = affine_map<(d0, d1) -> (0, 0, 0)>
module attributes {stable_mosaic.version = 14 : i64} {
  func.func @sc_segment_sum(%arg0: i32, %arg1: i32, %arg2: memref<2504x128xi32, #tpu.memory_space<hbm>>, %arg3: memref<320512x128xf32, #tpu.memory_space<hbm>>, %arg4: memref<10240x128xf32, #tpu.memory_space<hbm>>, %arg5: memref<2x10000x128xf32, #tpu.memory_space<hbm>>, %arg6: memref<8x128xi32, #tpu.memory_space<vmem>>, %arg7: memref<2x128x128xf32, #tpu.memory_space<vmem>>, %arg8: memref<10240x128xf32, #tpu.memory_space<vmem_shared>>, %arg9: memref<!tpu.dma_semaphore, #tpu.memory_space<semaphore_mem>>, %arg10: memref<!tpu.dma_semaphore, #tpu.memory_space<semaphore_mem>>) attributes {dimension_semantics = [#tpu.dimension_semantics<core_parallel>, #tpu.dimension_semantics<subcore_parallel>], iteration_bounds = array<i64: 2, 16>, scalar_prefetch = 0 : i64, scratch_operands = 5 : i64, tpu.core_type = #tpu.core_type<sc_vector_subcore>, window_params = [{transform_indices = #map}, {transform_indices = #map}, {transform_indices = #map}, {transform_indices = #map1}]} {
    %mul3A = arith.constant 2 : i32
    %mul3A_0 = arith.muli %arg1, %mul3A : i32
    %add3A = arith.addi %mul3A_0, %arg0 : i32
    %eq3A = arith.constant 0 : i32
    %eq3A_1 = arith.cmpi eq, %arg1, %eq3A : i32
    %convert_element_type3A = arith.extui %eq3A_1 : i1 to i32
    %cond3A = arith.constant 0 : i32
    %cond3A_2 = arith.cmpi ne, %convert_element_type3A, %cond3A : i32
    scf.if %cond3A_2 {
      "tpu.region"() ({
        %run_scoped3A = tpu.sem_alloc : memref<!tpu.dma_semaphore, #tpu.memory_space<semaphore_mem>>
        tpu.enqueue_dma source(%arg4 : memref<10240x128xf32, #tpu.memory_space<hbm>>) target(%arg8 : memref<10240x128xf32, #tpu.memory_space<vmem_shared>>) target_semaphore(%run_scoped3A : memref<!tpu.dma_semaphore, #tpu.memory_space<semaphore_mem>>)
        tpu.wait_dma2 semaphore(%run_scoped3A : memref<!tpu.dma_semaphore, #tpu.memory_space<semaphore_mem>>) src(%arg4 : memref<10240x128xf32, #tpu.memory_space<hbm>>) dst(%arg8 : memref<10240x128xf32, #tpu.memory_space<vmem_shared>>)
        tpu.yield
      }) : () -> ()
    } else {
    }
    %barrier3A = arith.constant 0 : index
    tpu.barrier barrier_id(%barrier3A)
    %scan3A = arith.constant 0 : i32
    %scan3A_3 = arith.constant 10 : i32
    %scan3A_4 = arith.addi %scan3A, %scan3A_3 : i32
    %scan3A_5 = arith.constant 1 : i32
    scf.for %scan3A_13 = %scan3A to %scan3A_4 step %scan3A_5  : i32 {
      %mul3A_14 = arith.constant 32 : i32
      %mul3A_15 = arith.muli %scan3A_13, %mul3A_14 : i32
      %add3A_16 = arith.addi %mul3A_15, %add3A : i32
      %lt3A = arith.constant 313 : i32
      %lt3A_17 = arith.cmpi slt, %add3A_16, %lt3A : i32
      %convert_element_type3A_18 = arith.extui %lt3A_17 : i1 to i32
      %cond3A_19 = arith.constant 0 : i32
      %cond3A_20 = arith.cmpi ne, %convert_element_type3A_18, %cond3A_19 : i32
      scf.if %cond3A_20 {
        %mul3A_21 = arith.constant 8 : i32
        %mul3A_22 = arith.muli %add3A_16, %mul3A_21 : i32
        "tpu.region"() ({
          %run_scoped3A_276 = tpu.sem_alloc : memref<!tpu.dma_semaphore, #tpu.memory_space<semaphore_mem>>
          %dma_start3A_277 = arith.constant 0 : i32
          %dma_start3A_278 = tpu.memref_slice %arg2[%mul3A_22, %dma_start3A_277] : memref<2504x128xi32, #tpu.memory_space<hbm>> -> memref<8x128xi32, #tpu.memory_space<hbm>>
          %dma_start3A_279 = arith.constant 0 : i32
          %dma_start3A_280 = tpu.memref_slice %arg2[%mul3A_22, %dma_start3A_279] : memref<2504x128xi32, #tpu.memory_space<hbm>> -> memref<8x128xi32, #tpu.memory_space<hbm>>
          tpu.enqueue_dma source(%dma_start3A_280 : memref<8x128xi32, #tpu.memory_space<hbm>>) target(%arg6 : memref<8x128xi32, #tpu.memory_space<vmem>>) target_semaphore(%run_scoped3A_276 : memref<!tpu.dma_semaphore, #tpu.memory_space<semaphore_mem>>)
          %dma_wait3A_281 = arith.constant 0 : i32
          %dma_wait3A_282 = tpu.memref_slice %arg2[%mul3A_22, %dma_wait3A_281] : memref<2504x128xi32, #tpu.memory_space<hbm>> -> memref<8x128xi32, #tpu.memory_space<hbm>>
          %dma_wait3A_283 = arith.constant 0 : i32
          %dma_wait3A_284 = tpu.memref_slice %arg2[%mul3A_22, %dma_wait3A_283] : memref<2504x128xi32, #tpu.memory_space<hbm>> -> memref<8x128xi32, #tpu.memory_space<hbm>>
          tpu.wait_dma2 semaphore(%run_scoped3A_276 : memref<!tpu.dma_semaphore, #tpu.memory_space<semaphore_mem>>) src(%dma_wait3A_284 : memref<8x128xi32, #tpu.memory_space<hbm>>) dst(%arg6 : memref<8x128xi32, #tpu.memory_space<vmem>>)
          tpu.yield
        }) : () -> ()
        %mul3A_23 = arith.constant 1024 : i32
        %mul3A_24 = arith.muli %add3A_16, %mul3A_23 : i32
        %add3A_25 = arith.constant 0 : i32
        %add3A_26 = arith.addi %mul3A_24, %add3A_25 : i32
        %dma_start3A = arith.constant 0 : i32
        %dma_start3A_27 = arith.constant 0 : i32
        %dma_start3A_28 = arith.constant 0 : i32
        %dma_start3A_29 = tpu.memref_slice %arg7[%dma_start3A, %dma_start3A_27, %dma_start3A_28] : memref<2x128x128xf32, #tpu.memory_space<vmem>> -> memref<1x128x128xf32, #tpu.memory_space<vmem>>
        %dma_start3A_30 = tpu.memref_squeeze %dma_start3A_29 : memref<1x128x128xf32, #tpu.memory_space<vmem>> -> memref<128x128xf32, #tpu.memory_space<vmem>>
        %dma_start3A_31 = arith.constant 0 : i32
        %dma_start3A_32 = tpu.memref_slice %arg3[%add3A_26, %dma_start3A_31] : memref<320512x128xf32, #tpu.memory_space<hbm>> -> memref<128x128xf32, #tpu.memory_space<hbm>>
        %dma_start3A_33 = arith.constant 0 : i32
        %dma_start3A_34 = arith.constant 0 : i32
        %dma_start3A_35 = tpu.memref_slice %arg7[%dma_start3A, %dma_start3A_33, %dma_start3A_34] : memref<2x128x128xf32, #tpu.memory_space<vmem>> -> memref<1x128x128xf32, #tpu.memory_space<vmem>>
        %dma_start3A_36 = tpu.memref_squeeze %dma_start3A_35 : memref<1x128x128xf32, #tpu.memory_space<vmem>> -> memref<128x128xf32, #tpu.memory_space<vmem>>
        %dma_start3A_37 = arith.constant 0 : i32
        %dma_start3A_38 = tpu.memref_slice %arg3[%add3A_26, %dma_start3A_37] : memref<320512x128xf32, #tpu.memory_space<hbm>> -> memref<128x128xf32, #tpu.memory_space<hbm>>
        tpu.enqueue_dma source(%dma_start3A_38 : memref<128x128xf32, #tpu.memory_space<hbm>>) target(%dma_start3A_36 : memref<128x128xf32, #tpu.memory_space<vmem>>) target_semaphore(%arg9 : memref<!tpu.dma_semaphore, #tpu.memory_space<semaphore_mem>>)
        %mul3A_39 = arith.constant 1024 : i32
        %mul3A_40 = arith.muli %add3A_16, %mul3A_39 : i32
        %add3A_41 = arith.constant 128 : i32
        %add3A_42 = arith.addi %mul3A_40, %add3A_41 : i32
        %dma_start3A_43 = arith.constant 1 : i32
        %dma_start3A_44 = arith.constant 0 : i32
        %dma_start3A_45 = arith.constant 0 : i32
        %dma_start3A_46 = tpu.memref_slice %arg7[%dma_start3A_43, %dma_start3A_44, %dma_start3A_45] : memref<2x128x128xf32, #tpu.memory_space<vmem>> -> memref<1x128x128xf32, #tpu.memory_space<vmem>>
        %dma_start3A_47 = tpu.memref_squeeze %dma_start3A_46 : memref<1x128x128xf32, #tpu.memory_space<vmem>> -> memref<128x128xf32, #tpu.memory_space<vmem>>
        %dma_start3A_48 = arith.constant 0 : i32
        %dma_start3A_49 = tpu.memref_slice %arg3[%add3A_42, %dma_start3A_48] : memref<320512x128xf32, #tpu.memory_space<hbm>> -> memref<128x128xf32, #tpu.memory_space<hbm>>
        %dma_start3A_50 = arith.constant 0 : i32
        %dma_start3A_51 = arith.constant 0 : i32
        %dma_start3A_52 = tpu.memref_slice %arg7[%dma_start3A_43, %dma_start3A_50, %dma_start3A_51] : memref<2x128x128xf32, #tpu.memory_space<vmem>> -> memref<1x128x128xf32, #tpu.memory_space<vmem>>
        %dma_start3A_53 = tpu.memref_squeeze %dma_start3A_52 : memref<1x128x128xf32, #tpu.memory_space<vmem>> -> memref<128x128xf32, #tpu.memory_space<vmem>>
        %dma_start3A_54 = arith.constant 0 : i32
        %dma_start3A_55 = tpu.memref_slice %arg3[%add3A_42, %dma_start3A_54] : memref<320512x128xf32, #tpu.memory_space<hbm>> -> memref<128x128xf32, #tpu.memory_space<hbm>>
        tpu.enqueue_dma source(%dma_start3A_55 : memref<128x128xf32, #tpu.memory_space<hbm>>) target(%dma_start3A_53 : memref<128x128xf32, #tpu.memory_space<vmem>>) target_semaphore(%arg10 : memref<!tpu.dma_semaphore, #tpu.memory_space<semaphore_mem>>)
        %dma_wait3A = arith.constant 0 : i32
        %dma_wait3A_56 = arith.constant 0 : i32
        %dma_wait3A_57 = arith.constant 0 : i32
        %dma_wait3A_58 = tpu.memref_slice %arg7[%dma_wait3A, %dma_wait3A_56, %dma_wait3A_57] : memref<2x128x128xf32, #tpu.memory_space<vmem>> -> memref<1x128x128xf32, #tpu.memory_space<vmem>>
        %dma_wait3A_59 = tpu.memref_squeeze %dma_wait3A_58 : memref<1x128x128xf32, #tpu.memory_space<vmem>> -> memref<128x128xf32, #tpu.memory_space<vmem>>
        %dma_wait3A_60 = arith.constant 0 : i32
        %dma_wait3A_61 = tpu.memref_slice %arg3[%add3A_26, %dma_wait3A_60] : memref<320512x128xf32, #tpu.memory_space<hbm>> -> memref<128x128xf32, #tpu.memory_space<hbm>>
        %dma_wait3A_62 = arith.constant 0 : i32
        %dma_wait3A_63 = arith.constant 0 : i32
        %dma_wait3A_64 = tpu.memref_slice %arg7[%dma_wait3A, %dma_wait3A_62, %dma_wait3A_63] : memref<2x128x128xf32, #tpu.memory_space<vmem>> -> memref<1x128x128xf32, #tpu.memory_space<vmem>>
        %dma_wait3A_65 = tpu.memref_squeeze %dma_wait3A_64 : memref<1x128x128xf32, #tpu.memory_space<vmem>> -> memref<128x128xf32, #tpu.memory_space<vmem>>
        %dma_wait3A_66 = arith.constant 0 : i32
        %dma_wait3A_67 = tpu.memref_slice %arg3[%add3A_26, %dma_wait3A_66] : memref<320512x128xf32, #tpu.memory_space<hbm>> -> memref<128x128xf32, #tpu.memory_space<hbm>>
        tpu.wait_dma2 semaphore(%arg9 : memref<!tpu.dma_semaphore, #tpu.memory_space<semaphore_mem>>) src(%dma_wait3A_67 : memref<128x128xf32, #tpu.memory_space<hbm>>) dst(%dma_wait3A_65 : memref<128x128xf32, #tpu.memory_space<vmem>>)
        %run_scoped3A = arith.constant 0 : i32
        %run_scoped3A_68 = arith.constant 0 : i32
        "tpu.region"() ({
          %run_scoped3A_276 = tpu.sem_alloc : memref<!tpu.dma_semaphore, #tpu.memory_space<semaphore_mem>>
          %dma_start3A_277 = arith.constant 0 : i32
          %dma_start3A_278 = arith.constant 0 : i32
          %dma_start3A_279 = tpu.memref_slice %arg7[%run_scoped3A, %dma_start3A_277, %dma_start3A_278] : memref<2x128x128xf32, #tpu.memory_space<vmem>> -> memref<1x128x128xf32, #tpu.memory_space<vmem>>
          %dma_start3A_280 = tpu.memref_squeeze %dma_start3A_279 : memref<1x128x128xf32, #tpu.memory_space<vmem>> -> memref<128x128xf32, #tpu.memory_space<vmem>>
          %dma_start3A_281 = arith.constant 0 : i32
          %dma_start3A_282 = tpu.memref_slice %arg6[%run_scoped3A_68, %dma_start3A_281] : memref<8x128xi32, #tpu.memory_space<vmem>> -> memref<1x128xi32, #tpu.memory_space<vmem>>
          %dma_start3A_283 = tpu.memref_squeeze %dma_start3A_282 : memref<1x128xi32, #tpu.memory_space<vmem>> -> memref<128xi32, #tpu.memory_space<vmem>>
          %dma_start3A_284 = arith.constant 0 : i32
          %dma_start3A_285 = arith.constant 0 : i32
          %dma_start3A_286 = tpu.memref_slice %arg8[%dma_start3A_284, %dma_start3A_285] : memref<10240x128xf32, #tpu.memory_space<vmem_shared>> -> memref<10240x128xf32, #tpu.memory_space<vmem_shared>>
          tpu.enqueue_indirect_dma source(%dma_start3A_280 : memref<128x128xf32, #tpu.memory_space<vmem>>) target(%dma_start3A_286 : memref<10240x128xf32, #tpu.memory_space<vmem_shared>>) offsets(%dma_start3A_283 : memref<128xi32, #tpu.memory_space<vmem>>) semaphore(%run_scoped3A_276 : memref<!tpu.dma_semaphore, #tpu.memory_space<semaphore_mem>>) {add = true}
          %dma_wait3A_287 = arith.constant 0 : i32
          %dma_wait3A_288 = arith.constant 0 : i32
          %dma_wait3A_289 = tpu.memref_slice %arg7[%run_scoped3A, %dma_wait3A_287, %dma_wait3A_288] : memref<2x128x128xf32, #tpu.memory_space<vmem>> -> memref<1x128x128xf32, #tpu.memory_space<vmem>>
          %dma_wait3A_290 = tpu.memref_squeeze %dma_wait3A_289 : memref<1x128x128xf32, #tpu.memory_space<vmem>> -> memref<128x128xf32, #tpu.memory_space<vmem>>
          %dma_wait3A_291 = arith.constant 0 : i32
          %dma_wait3A_292 = tpu.memref_slice %arg6[%run_scoped3A_68, %dma_wait3A_291] : memref<8x128xi32, #tpu.memory_space<vmem>> -> memref<1x128xi32, #tpu.memory_space<vmem>>
          %dma_wait3A_293 = tpu.memref_squeeze %dma_wait3A_292 : memref<1x128xi32, #tpu.memory_space<vmem>> -> memref<128xi32, #tpu.memory_space<vmem>>
          %dma_wait3A_294 = arith.constant 0 : i32
          %dma_wait3A_295 = arith.constant 0 : i32
          %dma_wait3A_296 = tpu.memref_slice %arg8[%dma_wait3A_294, %dma_wait3A_295] : memref<10240x128xf32, #tpu.memory_space<vmem_shared>> -> memref<10240x128xf32, #tpu.memory_space<vmem_shared>>
          tpu.wait_indirect_dma semaphore(%run_scoped3A_276 : memref<!tpu.dma_semaphore, #tpu.memory_space<semaphore_mem>>) src(%dma_wait3A_290 : memref<128x128xf32, #tpu.memory_space<vmem>>) dst(%dma_wait3A_296 : memref<10240x128xf32, #tpu.memory_space<vmem_shared>>)
          tpu.yield
        }) : () -> ()
        %mul3A_69 = arith.constant 1024 : i32
        %mul3A_70 = arith.muli %add3A_16, %mul3A_69 : i32
        %add3A_71 = arith.constant 256 : i32
        %add3A_72 = arith.addi %mul3A_70, %add3A_71 : i32
        %dma_start3A_73 = arith.constant 0 : i32
        %dma_start3A_74 = arith.constant 0 : i32
        %dma_start3A_75 = arith.constant 0 : i32
        %dma_start3A_76 = tpu.memref_slice %arg7[%dma_start3A_73, %dma_start3A_74, %dma_start3A_75] : memref<2x128x128xf32, #tpu.memory_space<vmem>> -> memref<1x128x128xf32, #tpu.memory_space<vmem>>
        %dma_start3A_77 = tpu.memref_squeeze %dma_start3A_76 : memref<1x128x128xf32, #tpu.memory_space<vmem>> -> memref<128x128xf32, #tpu.memory_space<vmem>>
        %dma_start3A_78 = arith.constant 0 : i32
        %dma_start3A_79 = tpu.memref_slice %arg3[%add3A_72, %dma_start3A_78] : memref<320512x128xf32, #tpu.memory_space<hbm>> -> memref<128x128xf32, #tpu.memory_space<hbm>>
        %dma_start3A_80 = arith.constant 0 : i32
        %dma_start3A_81 = arith.constant 0 : i32
        %dma_start3A_82 = tpu.memref_slice %arg7[%dma_start3A_73, %dma_start3A_80, %dma_start3A_81] : memref<2x128x128xf32, #tpu.memory_space<vmem>> -> memref<1x128x128xf32, #tpu.memory_space<vmem>>
        %dma_start3A_83 = tpu.memref_squeeze %dma_start3A_82 : memref<1x128x128xf32, #tpu.memory_space<vmem>> -> memref<128x128xf32, #tpu.memory_space<vmem>>
        %dma_start3A_84 = arith.constant 0 : i32
        %dma_start3A_85 = tpu.memref_slice %arg3[%add3A_72, %dma_start3A_84] : memref<320512x128xf32, #tpu.memory_space<hbm>> -> memref<128x128xf32, #tpu.memory_space<hbm>>
        tpu.enqueue_dma source(%dma_start3A_85 : memref<128x128xf32, #tpu.memory_space<hbm>>) target(%dma_start3A_83 : memref<128x128xf32, #tpu.memory_space<vmem>>) target_semaphore(%arg9 : memref<!tpu.dma_semaphore, #tpu.memory_space<semaphore_mem>>)
        %dma_wait3A_86 = arith.constant 1 : i32
        %dma_wait3A_87 = arith.constant 0 : i32
        %dma_wait3A_88 = arith.constant 0 : i32
        %dma_wait3A_89 = tpu.memref_slice %arg7[%dma_wait3A_86, %dma_wait3A_87, %dma_wait3A_88] : memref<2x128x128xf32, #tpu.memory_space<vmem>> -> memref<1x128x128xf32, #tpu.memory_space<vmem>>
        %dma_wait3A_90 = tpu.memref_squeeze %dma_wait3A_89 : memref<1x128x128xf32, #tpu.memory_space<vmem>> -> memref<128x128xf32, #tpu.memory_space<vmem>>
        %dma_wait3A_91 = arith.constant 0 : i32
        %dma_wait3A_92 = tpu.memref_slice %arg3[%add3A_42, %dma_wait3A_91] : memref<320512x128xf32, #tpu.memory_space<hbm>> -> memref<128x128xf32, #tpu.memory_space<hbm>>
        %dma_wait3A_93 = arith.constant 0 : i32
        %dma_wait3A_94 = arith.constant 0 : i32
        %dma_wait3A_95 = tpu.memref_slice %arg7[%dma_wait3A_86, %dma_wait3A_93, %dma_wait3A_94] : memref<2x128x128xf32, #tpu.memory_space<vmem>> -> memref<1x128x128xf32, #tpu.memory_space<vmem>>
        %dma_wait3A_96 = tpu.memref_squeeze %dma_wait3A_95 : memref<1x128x128xf32, #tpu.memory_space<vmem>> -> memref<128x128xf32, #tpu.memory_space<vmem>>
        %dma_wait3A_97 = arith.constant 0 : i32
        %dma_wait3A_98 = tpu.memref_slice %arg3[%add3A_42, %dma_wait3A_97] : memref<320512x128xf32, #tpu.memory_space<hbm>> -> memref<128x128xf32, #tpu.memory_space<hbm>>
        tpu.wait_dma2 semaphore(%arg10 : memref<!tpu.dma_semaphore, #tpu.memory_space<semaphore_mem>>) src(%dma_wait3A_98 : memref<128x128xf32, #tpu.memory_space<hbm>>) dst(%dma_wait3A_96 : memref<128x128xf32, #tpu.memory_space<vmem>>)
        %run_scoped3A_99 = arith.constant 1 : i32
        %run_scoped3A_100 = arith.constant 1 : i32
        "tpu.region"() ({
          %run_scoped3A_276 = tpu.sem_alloc : memref<!tpu.dma_semaphore, #tpu.memory_space<semaphore_mem>>
          %dma_start3A_277 = arith.constant 0 : i32
          %dma_start3A_278 = arith.constant 0 : i32
          %dma_start3A_279 = tpu.memref_slice %arg7[%run_scoped3A_99, %dma_start3A_277, %dma_start3A_278] : memref<2x128x128xf32, #tpu.memory_space<vmem>> -> memref<1x128x128xf32, #tpu.memory_space<vmem>>
          %dma_start3A_280 = tpu.memref_squeeze %dma_start3A_279 : memref<1x128x128xf32, #tpu.memory_space<vmem>> -> memref<128x128xf32, #tpu.memory_space<vmem>>
          %dma_start3A_281 = arith.constant 0 : i32
          %dma_start3A_282 = tpu.memref_slice %arg6[%run_scoped3A_100, %dma_start3A_281] : memref<8x128xi32, #tpu.memory_space<vmem>> -> memref<1x128xi32, #tpu.memory_space<vmem>>
          %dma_start3A_283 = tpu.memref_squeeze %dma_start3A_282 : memref<1x128xi32, #tpu.memory_space<vmem>> -> memref<128xi32, #tpu.memory_space<vmem>>
          %dma_start3A_284 = arith.constant 0 : i32
          %dma_start3A_285 = arith.constant 0 : i32
          %dma_start3A_286 = tpu.memref_slice %arg8[%dma_start3A_284, %dma_start3A_285] : memref<10240x128xf32, #tpu.memory_space<vmem_shared>> -> memref<10240x128xf32, #tpu.memory_space<vmem_shared>>
          tpu.enqueue_indirect_dma source(%dma_start3A_280 : memref<128x128xf32, #tpu.memory_space<vmem>>) target(%dma_start3A_286 : memref<10240x128xf32, #tpu.memory_space<vmem_shared>>) offsets(%dma_start3A_283 : memref<128xi32, #tpu.memory_space<vmem>>) semaphore(%run_scoped3A_276 : memref<!tpu.dma_semaphore, #tpu.memory_space<semaphore_mem>>) {add = true}
          %dma_wait3A_287 = arith.constant 0 : i32
          %dma_wait3A_288 = arith.constant 0 : i32
          %dma_wait3A_289 = tpu.memref_slice %arg7[%run_scoped3A_99, %dma_wait3A_287, %dma_wait3A_288] : memref<2x128x128xf32, #tpu.memory_space<vmem>> -> memref<1x128x128xf32, #tpu.memory_space<vmem>>
          %dma_wait3A_290 = tpu.memref_squeeze %dma_wait3A_289 : memref<1x128x128xf32, #tpu.memory_space<vmem>> -> memref<128x128xf32, #tpu.memory_space<vmem>>
          %dma_wait3A_291 = arith.constant 0 : i32
          %dma_wait3A_292 = tpu.memref_slice %arg6[%run_scoped3A_100, %dma_wait3A_291] : memref<8x128xi32, #tpu.memory_space<vmem>> -> memref<1x128xi32, #tpu.memory_space<vmem>>
          %dma_wait3A_293 = tpu.memref_squeeze %dma_wait3A_292 : memref<1x128xi32, #tpu.memory_space<vmem>> -> memref<128xi32, #tpu.memory_space<vmem>>
          %dma_wait3A_294 = arith.constant 0 : i32
          %dma_wait3A_295 = arith.constant 0 : i32
          %dma_wait3A_296 = tpu.memref_slice %arg8[%dma_wait3A_294, %dma_wait3A_295] : memref<10240x128xf32, #tpu.memory_space<vmem_shared>> -> memref<10240x128xf32, #tpu.memory_space<vmem_shared>>
          tpu.wait_indirect_dma semaphore(%run_scoped3A_276 : memref<!tpu.dma_semaphore, #tpu.memory_space<semaphore_mem>>) src(%dma_wait3A_290 : memref<128x128xf32, #tpu.memory_space<vmem>>) dst(%dma_wait3A_296 : memref<10240x128xf32, #tpu.memory_space<vmem_shared>>)
          tpu.yield
        }) : () -> ()
        %mul3A_101 = arith.constant 1024 : i32
        %mul3A_102 = arith.muli %add3A_16, %mul3A_101 : i32
        %add3A_103 = arith.constant 384 : i32
        %add3A_104 = arith.addi %mul3A_102, %add3A_103 : i32
        %dma_start3A_105 = arith.constant 1 : i32
        %dma_start3A_106 = arith.constant 0 : i32
        %dma_start3A_107 = arith.constant 0 : i32
        %dma_start3A_108 = tpu.memref_slice %arg7[%dma_start3A_105, %dma_start3A_106, %dma_start3A_107] : memref<2x128x128xf32, #tpu.memory_space<vmem>> -> memref<1x128x128xf32, #tpu.memory_space<vmem>>
        %dma_start3A_109 = tpu.memref_squeeze %dma_start3A_108 : memref<1x128x128xf32, #tpu.memory_space<vmem>> -> memref<128x128xf32, #tpu.memory_space<vmem>>
        %dma_start3A_110 = arith.constant 0 : i32
        %dma_start3A_111 = tpu.memref_slice %arg3[%add3A_104, %dma_start3A_110] : memref<320512x128xf32, #tpu.memory_space<hbm>> -> memref<128x128xf32, #tpu.memory_space<hbm>>
        %dma_start3A_112 = arith.constant 0 : i32
        %dma_start3A_113 = arith.constant 0 : i32
        %dma_start3A_114 = tpu.memref_slice %arg7[%dma_start3A_105, %dma_start3A_112, %dma_start3A_113] : memref<2x128x128xf32, #tpu.memory_space<vmem>> -> memref<1x128x128xf32, #tpu.memory_space<vmem>>
        %dma_start3A_115 = tpu.memref_squeeze %dma_start3A_114 : memref<1x128x128xf32, #tpu.memory_space<vmem>> -> memref<128x128xf32, #tpu.memory_space<vmem>>
        %dma_start3A_116 = arith.constant 0 : i32
        %dma_start3A_117 = tpu.memref_slice %arg3[%add3A_104, %dma_start3A_116] : memref<320512x128xf32, #tpu.memory_space<hbm>> -> memref<128x128xf32, #tpu.memory_space<hbm>>
        tpu.enqueue_dma source(%dma_start3A_117 : memref<128x128xf32, #tpu.memory_space<hbm>>) target(%dma_start3A_115 : memref<128x128xf32, #tpu.memory_space<vmem>>) target_semaphore(%arg10 : memref<!tpu.dma_semaphore, #tpu.memory_space<semaphore_mem>>)
        %dma_wait3A_118 = arith.constant 0 : i32
        %dma_wait3A_119 = arith.constant 0 : i32
        %dma_wait3A_120 = arith.constant 0 : i32
        %dma_wait3A_121 = tpu.memref_slice %arg7[%dma_wait3A_118, %dma_wait3A_119, %dma_wait3A_120] : memref<2x128x128xf32, #tpu.memory_space<vmem>> -> memref<1x128x128xf32, #tpu.memory_space<vmem>>
        %dma_wait3A_122 = tpu.memref_squeeze %dma_wait3A_121 : memref<1x128x128xf32, #tpu.memory_space<vmem>> -> memref<128x128xf32, #tpu.memory_space<vmem>>
        %dma_wait3A_123 = arith.constant 0 : i32
        %dma_wait3A_124 = tpu.memref_slice %arg3[%add3A_72, %dma_wait3A_123] : memref<320512x128xf32, #tpu.memory_space<hbm>> -> memref<128x128xf32, #tpu.memory_space<hbm>>
        %dma_wait3A_125 = arith.constant 0 : i32
        %dma_wait3A_126 = arith.constant 0 : i32
        %dma_wait3A_127 = tpu.memref_slice %arg7[%dma_wait3A_118, %dma_wait3A_125, %dma_wait3A_126] : memref<2x128x128xf32, #tpu.memory_space<vmem>> -> memref<1x128x128xf32, #tpu.memory_space<vmem>>
        %dma_wait3A_128 = tpu.memref_squeeze %dma_wait3A_127 : memref<1x128x128xf32, #tpu.memory_space<vmem>> -> memref<128x128xf32, #tpu.memory_space<vmem>>
        %dma_wait3A_129 = arith.constant 0 : i32
        %dma_wait3A_130 = tpu.memref_slice %arg3[%add3A_72, %dma_wait3A_129] : memref<320512x128xf32, #tpu.memory_space<hbm>> -> memref<128x128xf32, #tpu.memory_space<hbm>>
        tpu.wait_dma2 semaphore(%arg9 : memref<!tpu.dma_semaphore, #tpu.memory_space<semaphore_mem>>) src(%dma_wait3A_130 : memref<128x128xf32, #tpu.memory_space<hbm>>) dst(%dma_wait3A_128 : memref<128x128xf32, #tpu.memory_space<vmem>>)
        %run_scoped3A_131 = arith.constant 0 : i32
        %run_scoped3A_132 = arith.constant 2 : i32
        "tpu.region"() ({
          %run_scoped3A_276 = tpu.sem_alloc : memref<!tpu.dma_semaphore, #tpu.memory_space<semaphore_mem>>
          %dma_start3A_277 = arith.constant 0 : i32
          %dma_start3A_278 = arith.constant 0 : i32
          %dma_start3A_279 = tpu.memref_slice %arg7[%run_scoped3A_131, %dma_start3A_277, %dma_start3A_278] : memref<2x128x128xf32, #tpu.memory_space<vmem>> -> memref<1x128x128xf32, #tpu.memory_space<vmem>>
          %dma_start3A_280 = tpu.memref_squeeze %dma_start3A_279 : memref<1x128x128xf32, #tpu.memory_space<vmem>> -> memref<128x128xf32, #tpu.memory_space<vmem>>
          %dma_start3A_281 = arith.constant 0 : i32
          %dma_start3A_282 = tpu.memref_slice %arg6[%run_scoped3A_132, %dma_start3A_281] : memref<8x128xi32, #tpu.memory_space<vmem>> -> memref<1x128xi32, #tpu.memory_space<vmem>>
          %dma_start3A_283 = tpu.memref_squeeze %dma_start3A_282 : memref<1x128xi32, #tpu.memory_space<vmem>> -> memref<128xi32, #tpu.memory_space<vmem>>
          %dma_start3A_284 = arith.constant 0 : i32
          %dma_start3A_285 = arith.constant 0 : i32
          %dma_start3A_286 = tpu.memref_slice %arg8[%dma_start3A_284, %dma_start3A_285] : memref<10240x128xf32, #tpu.memory_space<vmem_shared>> -> memref<10240x128xf32, #tpu.memory_space<vmem_shared>>
          tpu.enqueue_indirect_dma source(%dma_start3A_280 : memref<128x128xf32, #tpu.memory_space<vmem>>) target(%dma_start3A_286 : memref<10240x128xf32, #tpu.memory_space<vmem_shared>>) offsets(%dma_start3A_283 : memref<128xi32, #tpu.memory_space<vmem>>) semaphore(%run_scoped3A_276 : memref<!tpu.dma_semaphore, #tpu.memory_space<semaphore_mem>>) {add = true}
          %dma_wait3A_287 = arith.constant 0 : i32
          %dma_wait3A_288 = arith.constant 0 : i32
          %dma_wait3A_289 = tpu.memref_slice %arg7[%run_scoped3A_131, %dma_wait3A_287, %dma_wait3A_288] : memref<2x128x128xf32, #tpu.memory_space<vmem>> -> memref<1x128x128xf32, #tpu.memory_space<vmem>>
          %dma_wait3A_290 = tpu.memref_squeeze %dma_wait3A_289 : memref<1x128x128xf32, #tpu.memory_space<vmem>> -> memref<128x128xf32, #tpu.memory_space<vmem>>
          %dma_wait3A_291 = arith.constant 0 : i32
          %dma_wait3A_292 = tpu.memref_slice %arg6[%run_scoped3A_132, %dma_wait3A_291] : memref<8x128xi32, #tpu.memory_space<vmem>> -> memref<1x128xi32, #tpu.memory_space<vmem>>
          %dma_wait3A_293 = tpu.memref_squeeze %dma_wait3A_292 : memref<1x128xi32, #tpu.memory_space<vmem>> -> memref<128xi32, #tpu.memory_space<vmem>>
          %dma_wait3A_294 = arith.constant 0 : i32
          %dma_wait3A_295 = arith.constant 0 : i32
          %dma_wait3A_296 = tpu.memref_slice %arg8[%dma_wait3A_294, %dma_wait3A_295] : memref<10240x128xf32, #tpu.memory_space<vmem_shared>> -> memref<10240x128xf32, #tpu.memory_space<vmem_shared>>
          tpu.wait_indirect_dma semaphore(%run_scoped3A_276 : memref<!tpu.dma_semaphore, #tpu.memory_space<semaphore_mem>>) src(%dma_wait3A_290 : memref<128x128xf32, #tpu.memory_space<vmem>>) dst(%dma_wait3A_296 : memref<10240x128xf32, #tpu.memory_space<vmem_shared>>)
          tpu.yield
        }) : () -> ()
        %mul3A_133 = arith.constant 1024 : i32
        %mul3A_134 = arith.muli %add3A_16, %mul3A_133 : i32
        %add3A_135 = arith.constant 512 : i32
        %add3A_136 = arith.addi %mul3A_134, %add3A_135 : i32
        %dma_start3A_137 = arith.constant 0 : i32
        %dma_start3A_138 = arith.constant 0 : i32
        %dma_start3A_139 = arith.constant 0 : i32
        %dma_start3A_140 = tpu.memref_slice %arg7[%dma_start3A_137, %dma_start3A_138, %dma_start3A_139] : memref<2x128x128xf32, #tpu.memory_space<vmem>> -> memref<1x128x128xf32, #tpu.memory_space<vmem>>
        %dma_start3A_141 = tpu.memref_squeeze %dma_start3A_140 : memref<1x128x128xf32, #tpu.memory_space<vmem>> -> memref<128x128xf32, #tpu.memory_space<vmem>>
        %dma_start3A_142 = arith.constant 0 : i32
        %dma_start3A_143 = tpu.memref_slice %arg3[%add3A_136, %dma_start3A_142] : memref<320512x128xf32, #tpu.memory_space<hbm>> -> memref<128x128xf32, #tpu.memory_space<hbm>>
        %dma_start3A_144 = arith.constant 0 : i32
        %dma_start3A_145 = arith.constant 0 : i32
        %dma_start3A_146 = tpu.memref_slice %arg7[%dma_start3A_137, %dma_start3A_144, %dma_start3A_145] : memref<2x128x128xf32, #tpu.memory_space<vmem>> -> memref<1x128x128xf32, #tpu.memory_space<vmem>>
        %dma_start3A_147 = tpu.memref_squeeze %dma_start3A_146 : memref<1x128x128xf32, #tpu.memory_space<vmem>> -> memref<128x128xf32, #tpu.memory_space<vmem>>
        %dma_start3A_148 = arith.constant 0 : i32
        %dma_start3A_149 = tpu.memref_slice %arg3[%add3A_136, %dma_start3A_148] : memref<320512x128xf32, #tpu.memory_space<hbm>> -> memref<128x128xf32, #tpu.memory_space<hbm>>
        tpu.enqueue_dma source(%dma_start3A_149 : memref<128x128xf32, #tpu.memory_space<hbm>>) target(%dma_start3A_147 : memref<128x128xf32, #tpu.memory_space<vmem>>) target_semaphore(%arg9 : memref<!tpu.dma_semaphore, #tpu.memory_space<semaphore_mem>>)
        %dma_wait3A_150 = arith.constant 1 : i32
        %dma_wait3A_151 = arith.constant 0 : i32
        %dma_wait3A_152 = arith.constant 0 : i32
        %dma_wait3A_153 = tpu.memref_slice %arg7[%dma_wait3A_150, %dma_wait3A_151, %dma_wait3A_152] : memref<2x128x128xf32, #tpu.memory_space<vmem>> -> memref<1x128x128xf32, #tpu.memory_space<vmem>>
        %dma_wait3A_154 = tpu.memref_squeeze %dma_wait3A_153 : memref<1x128x128xf32, #tpu.memory_space<vmem>> -> memref<128x128xf32, #tpu.memory_space<vmem>>
        %dma_wait3A_155 = arith.constant 0 : i32
        %dma_wait3A_156 = tpu.memref_slice %arg3[%add3A_104, %dma_wait3A_155] : memref<320512x128xf32, #tpu.memory_space<hbm>> -> memref<128x128xf32, #tpu.memory_space<hbm>>
        %dma_wait3A_157 = arith.constant 0 : i32
        %dma_wait3A_158 = arith.constant 0 : i32
        %dma_wait3A_159 = tpu.memref_slice %arg7[%dma_wait3A_150, %dma_wait3A_157, %dma_wait3A_158] : memref<2x128x128xf32, #tpu.memory_space<vmem>> -> memref<1x128x128xf32, #tpu.memory_space<vmem>>
        %dma_wait3A_160 = tpu.memref_squeeze %dma_wait3A_159 : memref<1x128x128xf32, #tpu.memory_space<vmem>> -> memref<128x128xf32, #tpu.memory_space<vmem>>
        %dma_wait3A_161 = arith.constant 0 : i32
        %dma_wait3A_162 = tpu.memref_slice %arg3[%add3A_104, %dma_wait3A_161] : memref<320512x128xf32, #tpu.memory_space<hbm>> -> memref<128x128xf32, #tpu.memory_space<hbm>>
        tpu.wait_dma2 semaphore(%arg10 : memref<!tpu.dma_semaphore, #tpu.memory_space<semaphore_mem>>) src(%dma_wait3A_162 : memref<128x128xf32, #tpu.memory_space<hbm>>) dst(%dma_wait3A_160 : memref<128x128xf32, #tpu.memory_space<vmem>>)
        %run_scoped3A_163 = arith.constant 1 : i32
        %run_scoped3A_164 = arith.constant 3 : i32
        "tpu.region"() ({
          %run_scoped3A_276 = tpu.sem_alloc : memref<!tpu.dma_semaphore, #tpu.memory_space<semaphore_mem>>
          %dma_start3A_277 = arith.constant 0 : i32
          %dma_start3A_278 = arith.constant 0 : i32
          %dma_start3A_279 = tpu.memref_slice %arg7[%run_scoped3A_163, %dma_start3A_277, %dma_start3A_278] : memref<2x128x128xf32, #tpu.memory_space<vmem>> -> memref<1x128x128xf32, #tpu.memory_space<vmem>>
          %dma_start3A_280 = tpu.memref_squeeze %dma_start3A_279 : memref<1x128x128xf32, #tpu.memory_space<vmem>> -> memref<128x128xf32, #tpu.memory_space<vmem>>
          %dma_start3A_281 = arith.constant 0 : i32
          %dma_start3A_282 = tpu.memref_slice %arg6[%run_scoped3A_164, %dma_start3A_281] : memref<8x128xi32, #tpu.memory_space<vmem>> -> memref<1x128xi32, #tpu.memory_space<vmem>>
          %dma_start3A_283 = tpu.memref_squeeze %dma_start3A_282 : memref<1x128xi32, #tpu.memory_space<vmem>> -> memref<128xi32, #tpu.memory_space<vmem>>
          %dma_start3A_284 = arith.constant 0 : i32
          %dma_start3A_285 = arith.constant 0 : i32
          %dma_start3A_286 = tpu.memref_slice %arg8[%dma_start3A_284, %dma_start3A_285] : memref<10240x128xf32, #tpu.memory_space<vmem_shared>> -> memref<10240x128xf32, #tpu.memory_space<vmem_shared>>
          tpu.enqueue_indirect_dma source(%dma_start3A_280 : memref<128x128xf32, #tpu.memory_space<vmem>>) target(%dma_start3A_286 : memref<10240x128xf32, #tpu.memory_space<vmem_shared>>) offsets(%dma_start3A_283 : memref<128xi32, #tpu.memory_space<vmem>>) semaphore(%run_scoped3A_276 : memref<!tpu.dma_semaphore, #tpu.memory_space<semaphore_mem>>) {add = true}
          %dma_wait3A_287 = arith.constant 0 : i32
          %dma_wait3A_288 = arith.constant 0 : i32
          %dma_wait3A_289 = tpu.memref_slice %arg7[%run_scoped3A_163, %dma_wait3A_287, %dma_wait3A_288] : memref<2x128x128xf32, #tpu.memory_space<vmem>> -> memref<1x128x128xf32, #tpu.memory_space<vmem>>
          %dma_wait3A_290 = tpu.memref_squeeze %dma_wait3A_289 : memref<1x128x128xf32, #tpu.memory_space<vmem>> -> memref<128x128xf32, #tpu.memory_space<vmem>>
          %dma_wait3A_291 = arith.constant 0 : i32
          %dma_wait3A_292 = tpu.memref_slice %arg6[%run_scoped3A_164, %dma_wait3A_291] : memref<8x128xi32, #tpu.memory_space<vmem>> -> memref<1x128xi32, #tpu.memory_space<vmem>>
          %dma_wait3A_293 = tpu.memref_squeeze %dma_wait3A_292 : memref<1x128xi32, #tpu.memory_space<vmem>> -> memref<128xi32, #tpu.memory_space<vmem>>
          %dma_wait3A_294 = arith.constant 0 : i32
          %dma_wait3A_295 = arith.constant 0 : i32
          %dma_wait3A_296 = tpu.memref_slice %arg8[%dma_wait3A_294, %dma_wait3A_295] : memref<10240x128xf32, #tpu.memory_space<vmem_shared>> -> memref<10240x128xf32, #tpu.memory_space<vmem_shared>>
          tpu.wait_indirect_dma semaphore(%run_scoped3A_276 : memref<!tpu.dma_semaphore, #tpu.memory_space<semaphore_mem>>) src(%dma_wait3A_290 : memref<128x128xf32, #tpu.memory_space<vmem>>) dst(%dma_wait3A_296 : memref<10240x128xf32, #tpu.memory_space<vmem_shared>>)
          tpu.yield
        }) : () -> ()
        %mul3A_165 = arith.constant 1024 : i32
        %mul3A_166 = arith.muli %add3A_16, %mul3A_165 : i32
        %add3A_167 = arith.constant 640 : i32
        %add3A_168 = arith.addi %mul3A_166, %add3A_167 : i32
        %dma_start3A_169 = arith.constant 1 : i32
        %dma_start3A_170 = arith.constant 0 : i32
        %dma_start3A_171 = arith.constant 0 : i32
        %dma_start3A_172 = tpu.memref_slice %arg7[%dma_start3A_169, %dma_start3A_170, %dma_start3A_171] : memref<2x128x128xf32, #tpu.memory_space<vmem>> -> memref<1x128x128xf32, #tpu.memory_space<vmem>>
        %dma_start3A_173 = tpu.memref_squeeze %dma_start3A_172 : memref<1x128x128xf32, #tpu.memory_space<vmem>> -> memref<128x128xf32, #tpu.memory_space<vmem>>
        %dma_start3A_174 = arith.constant 0 : i32
        %dma_start3A_175 = tpu.memref_slice %arg3[%add3A_168, %dma_start3A_174] : memref<320512x128xf32, #tpu.memory_space<hbm>> -> memref<128x128xf32, #tpu.memory_space<hbm>>
        %dma_start3A_176 = arith.constant 0 : i32
        %dma_start3A_177 = arith.constant 0 : i32
        %dma_start3A_178 = tpu.memref_slice %arg7[%dma_start3A_169, %dma_start3A_176, %dma_start3A_177] : memref<2x128x128xf32, #tpu.memory_space<vmem>> -> memref<1x128x128xf32, #tpu.memory_space<vmem>>
        %dma_start3A_179 = tpu.memref_squeeze %dma_start3A_178 : memref<1x128x128xf32, #tpu.memory_space<vmem>> -> memref<128x128xf32, #tpu.memory_space<vmem>>
        %dma_start3A_180 = arith.constant 0 : i32
        %dma_start3A_181 = tpu.memref_slice %arg3[%add3A_168, %dma_start3A_180] : memref<320512x128xf32, #tpu.memory_space<hbm>> -> memref<128x128xf32, #tpu.memory_space<hbm>>
        tpu.enqueue_dma source(%dma_start3A_181 : memref<128x128xf32, #tpu.memory_space<hbm>>) target(%dma_start3A_179 : memref<128x128xf32, #tpu.memory_space<vmem>>) target_semaphore(%arg10 : memref<!tpu.dma_semaphore, #tpu.memory_space<semaphore_mem>>)
        %dma_wait3A_182 = arith.constant 0 : i32
        %dma_wait3A_183 = arith.constant 0 : i32
        %dma_wait3A_184 = arith.constant 0 : i32
        %dma_wait3A_185 = tpu.memref_slice %arg7[%dma_wait3A_182, %dma_wait3A_183, %dma_wait3A_184] : memref<2x128x128xf32, #tpu.memory_space<vmem>> -> memref<1x128x128xf32, #tpu.memory_space<vmem>>
        %dma_wait3A_186 = tpu.memref_squeeze %dma_wait3A_185 : memref<1x128x128xf32, #tpu.memory_space<vmem>> -> memref<128x128xf32, #tpu.memory_space<vmem>>
        %dma_wait3A_187 = arith.constant 0 : i32
        %dma_wait3A_188 = tpu.memref_slice %arg3[%add3A_136, %dma_wait3A_187] : memref<320512x128xf32, #tpu.memory_space<hbm>> -> memref<128x128xf32, #tpu.memory_space<hbm>>
        %dma_wait3A_189 = arith.constant 0 : i32
        %dma_wait3A_190 = arith.constant 0 : i32
        %dma_wait3A_191 = tpu.memref_slice %arg7[%dma_wait3A_182, %dma_wait3A_189, %dma_wait3A_190] : memref<2x128x128xf32, #tpu.memory_space<vmem>> -> memref<1x128x128xf32, #tpu.memory_space<vmem>>
        %dma_wait3A_192 = tpu.memref_squeeze %dma_wait3A_191 : memref<1x128x128xf32, #tpu.memory_space<vmem>> -> memref<128x128xf32, #tpu.memory_space<vmem>>
        %dma_wait3A_193 = arith.constant 0 : i32
        %dma_wait3A_194 = tpu.memref_slice %arg3[%add3A_136, %dma_wait3A_193] : memref<320512x128xf32, #tpu.memory_space<hbm>> -> memref<128x128xf32, #tpu.memory_space<hbm>>
        tpu.wait_dma2 semaphore(%arg9 : memref<!tpu.dma_semaphore, #tpu.memory_space<semaphore_mem>>) src(%dma_wait3A_194 : memref<128x128xf32, #tpu.memory_space<hbm>>) dst(%dma_wait3A_192 : memref<128x128xf32, #tpu.memory_space<vmem>>)
        %run_scoped3A_195 = arith.constant 0 : i32
        %run_scoped3A_196 = arith.constant 4 : i32
        "tpu.region"() ({
          %run_scoped3A_276 = tpu.sem_alloc : memref<!tpu.dma_semaphore, #tpu.memory_space<semaphore_mem>>
          %dma_start3A_277 = arith.constant 0 : i32
          %dma_start3A_278 = arith.constant 0 : i32
          %dma_start3A_279 = tpu.memref_slice %arg7[%run_scoped3A_195, %dma_start3A_277, %dma_start3A_278] : memref<2x128x128xf32, #tpu.memory_space<vmem>> -> memref<1x128x128xf32, #tpu.memory_space<vmem>>
          %dma_start3A_280 = tpu.memref_squeeze %dma_start3A_279 : memref<1x128x128xf32, #tpu.memory_space<vmem>> -> memref<128x128xf32, #tpu.memory_space<vmem>>
          %dma_start3A_281 = arith.constant 0 : i32
          %dma_start3A_282 = tpu.memref_slice %arg6[%run_scoped3A_196, %dma_start3A_281] : memref<8x128xi32, #tpu.memory_space<vmem>> -> memref<1x128xi32, #tpu.memory_space<vmem>>
          %dma_start3A_283 = tpu.memref_squeeze %dma_start3A_282 : memref<1x128xi32, #tpu.memory_space<vmem>> -> memref<128xi32, #tpu.memory_space<vmem>>
          %dma_start3A_284 = arith.constant 0 : i32
          %dma_start3A_285 = arith.constant 0 : i32
          %dma_start3A_286 = tpu.memref_slice %arg8[%dma_start3A_284, %dma_start3A_285] : memref<10240x128xf32, #tpu.memory_space<vmem_shared>> -> memref<10240x128xf32, #tpu.memory_space<vmem_shared>>
          tpu.enqueue_indirect_dma source(%dma_start3A_280 : memref<128x128xf32, #tpu.memory_space<vmem>>) target(%dma_start3A_286 : memref<10240x128xf32, #tpu.memory_space<vmem_shared>>) offsets(%dma_start3A_283 : memref<128xi32, #tpu.memory_space<vmem>>) semaphore(%run_scoped3A_276 : memref<!tpu.dma_semaphore, #tpu.memory_space<semaphore_mem>>) {add = true}
          %dma_wait3A_287 = arith.constant 0 : i32
          %dma_wait3A_288 = arith.constant 0 : i32
          %dma_wait3A_289 = tpu.memref_slice %arg7[%run_scoped3A_195, %dma_wait3A_287, %dma_wait3A_288] : memref<2x128x128xf32, #tpu.memory_space<vmem>> -> memref<1x128x128xf32, #tpu.memory_space<vmem>>
          %dma_wait3A_290 = tpu.memref_squeeze %dma_wait3A_289 : memref<1x128x128xf32, #tpu.memory_space<vmem>> -> memref<128x128xf32, #tpu.memory_space<vmem>>
          %dma_wait3A_291 = arith.constant 0 : i32
          %dma_wait3A_292 = tpu.memref_slice %arg6[%run_scoped3A_196, %dma_wait3A_291] : memref<8x128xi32, #tpu.memory_space<vmem>> -> memref<1x128xi32, #tpu.memory_space<vmem>>
          %dma_wait3A_293 = tpu.memref_squeeze %dma_wait3A_292 : memref<1x128xi32, #tpu.memory_space<vmem>> -> memref<128xi32, #tpu.memory_space<vmem>>
          %dma_wait3A_294 = arith.constant 0 : i32
          %dma_wait3A_295 = arith.constant 0 : i32
          %dma_wait3A_296 = tpu.memref_slice %arg8[%dma_wait3A_294, %dma_wait3A_295] : memref<10240x128xf32, #tpu.memory_space<vmem_shared>> -> memref<10240x128xf32, #tpu.memory_space<vmem_shared>>
          tpu.wait_indirect_dma semaphore(%run_scoped3A_276 : memref<!tpu.dma_semaphore, #tpu.memory_space<semaphore_mem>>) src(%dma_wait3A_290 : memref<128x128xf32, #tpu.memory_space<vmem>>) dst(%dma_wait3A_296 : memref<10240x128xf32, #tpu.memory_space<vmem_shared>>)
          tpu.yield
        }) : () -> ()
        %mul3A_197 = arith.constant 1024 : i32
        %mul3A_198 = arith.muli %add3A_16, %mul3A_197 : i32
        %add3A_199 = arith.constant 768 : i32
        %add3A_200 = arith.addi %mul3A_198, %add3A_199 : i32
        %dma_start3A_201 = arith.constant 0 : i32
        %dma_start3A_202 = arith.constant 0 : i32
        %dma_start3A_203 = arith.constant 0 : i32
        %dma_start3A_204 = tpu.memref_slice %arg7[%dma_start3A_201, %dma_start3A_202, %dma_start3A_203] : memref<2x128x128xf32, #tpu.memory_space<vmem>> -> memref<1x128x128xf32, #tpu.memory_space<vmem>>
        %dma_start3A_205 = tpu.memref_squeeze %dma_start3A_204 : memref<1x128x128xf32, #tpu.memory_space<vmem>> -> memref<128x128xf32, #tpu.memory_space<vmem>>
        %dma_start3A_206 = arith.constant 0 : i32
        %dma_start3A_207 = tpu.memref_slice %arg3[%add3A_200, %dma_start3A_206] : memref<320512x128xf32, #tpu.memory_space<hbm>> -> memref<128x128xf32, #tpu.memory_space<hbm>>
        %dma_start3A_208 = arith.constant 0 : i32
        %dma_start3A_209 = arith.constant 0 : i32
        %dma_start3A_210 = tpu.memref_slice %arg7[%dma_start3A_201, %dma_start3A_208, %dma_start3A_209] : memref<2x128x128xf32, #tpu.memory_space<vmem>> -> memref<1x128x128xf32, #tpu.memory_space<vmem>>
        %dma_start3A_211 = tpu.memref_squeeze %dma_start3A_210 : memref<1x128x128xf32, #tpu.memory_space<vmem>> -> memref<128x128xf32, #tpu.memory_space<vmem>>
        %dma_start3A_212 = arith.constant 0 : i32
        %dma_start3A_213 = tpu.memref_slice %arg3[%add3A_200, %dma_start3A_212] : memref<320512x128xf32, #tpu.memory_space<hbm>> -> memref<128x128xf32, #tpu.memory_space<hbm>>
        tpu.enqueue_dma source(%dma_start3A_213 : memref<128x128xf32, #tpu.memory_space<hbm>>) target(%dma_start3A_211 : memref<128x128xf32, #tpu.memory_space<vmem>>) target_semaphore(%arg9 : memref<!tpu.dma_semaphore, #tpu.memory_space<semaphore_mem>>)
        %dma_wait3A_214 = arith.constant 1 : i32
        %dma_wait3A_215 = arith.constant 0 : i32
        %dma_wait3A_216 = arith.constant 0 : i32
        %dma_wait3A_217 = tpu.memref_slice %arg7[%dma_wait3A_214, %dma_wait3A_215, %dma_wait3A_216] : memref<2x128x128xf32, #tpu.memory_space<vmem>> -> memref<1x128x128xf32, #tpu.memory_space<vmem>>
        %dma_wait3A_218 = tpu.memref_squeeze %dma_wait3A_217 : memref<1x128x128xf32, #tpu.memory_space<vmem>> -> memref<128x128xf32, #tpu.memory_space<vmem>>
        %dma_wait3A_219 = arith.constant 0 : i32
        %dma_wait3A_220 = tpu.memref_slice %arg3[%add3A_168, %dma_wait3A_219] : memref<320512x128xf32, #tpu.memory_space<hbm>> -> memref<128x128xf32, #tpu.memory_space<hbm>>
        %dma_wait3A_221 = arith.constant 0 : i32
        %dma_wait3A_222 = arith.constant 0 : i32
        %dma_wait3A_223 = tpu.memref_slice %arg7[%dma_wait3A_214, %dma_wait3A_221, %dma_wait3A_222] : memref<2x128x128xf32, #tpu.memory_space<vmem>> -> memref<1x128x128xf32, #tpu.memory_space<vmem>>
        %dma_wait3A_224 = tpu.memref_squeeze %dma_wait3A_223 : memref<1x128x128xf32, #tpu.memory_space<vmem>> -> memref<128x128xf32, #tpu.memory_space<vmem>>
        %dma_wait3A_225 = arith.constant 0 : i32
        %dma_wait3A_226 = tpu.memref_slice %arg3[%add3A_168, %dma_wait3A_225] : memref<320512x128xf32, #tpu.memory_space<hbm>> -> memref<128x128xf32, #tpu.memory_space<hbm>>
        tpu.wait_dma2 semaphore(%arg10 : memref<!tpu.dma_semaphore, #tpu.memory_space<semaphore_mem>>) src(%dma_wait3A_226 : memref<128x128xf32, #tpu.memory_space<hbm>>) dst(%dma_wait3A_224 : memref<128x128xf32, #tpu.memory_space<vmem>>)
        %run_scoped3A_227 = arith.constant 1 : i32
        %run_scoped3A_228 = arith.constant 5 : i32
        "tpu.region"() ({
          %run_scoped3A_276 = tpu.sem_alloc : memref<!tpu.dma_semaphore, #tpu.memory_space<semaphore_mem>>
          %dma_start3A_277 = arith.constant 0 : i32
          %dma_start3A_278 = arith.constant 0 : i32
          %dma_start3A_279 = tpu.memref_slice %arg7[%run_scoped3A_227, %dma_start3A_277, %dma_start3A_278] : memref<2x128x128xf32, #tpu.memory_space<vmem>> -> memref<1x128x128xf32, #tpu.memory_space<vmem>>
          %dma_start3A_280 = tpu.memref_squeeze %dma_start3A_279 : memref<1x128x128xf32, #tpu.memory_space<vmem>> -> memref<128x128xf32, #tpu.memory_space<vmem>>
          %dma_start3A_281 = arith.constant 0 : i32
          %dma_start3A_282 = tpu.memref_slice %arg6[%run_scoped3A_228, %dma_start3A_281] : memref<8x128xi32, #tpu.memory_space<vmem>> -> memref<1x128xi32, #tpu.memory_space<vmem>>
          %dma_start3A_283 = tpu.memref_squeeze %dma_start3A_282 : memref<1x128xi32, #tpu.memory_space<vmem>> -> memref<128xi32, #tpu.memory_space<vmem>>
          %dma_start3A_284 = arith.constant 0 : i32
          %dma_start3A_285 = arith.constant 0 : i32
          %dma_start3A_286 = tpu.memref_slice %arg8[%dma_start3A_284, %dma_start3A_285] : memref<10240x128xf32, #tpu.memory_space<vmem_shared>> -> memref<10240x128xf32, #tpu.memory_space<vmem_shared>>
          tpu.enqueue_indirect_dma source(%dma_start3A_280 : memref<128x128xf32, #tpu.memory_space<vmem>>) target(%dma_start3A_286 : memref<10240x128xf32, #tpu.memory_space<vmem_shared>>) offsets(%dma_start3A_283 : memref<128xi32, #tpu.memory_space<vmem>>) semaphore(%run_scoped3A_276 : memref<!tpu.dma_semaphore, #tpu.memory_space<semaphore_mem>>) {add = true}
          %dma_wait3A_287 = arith.constant 0 : i32
          %dma_wait3A_288 = arith.constant 0 : i32
          %dma_wait3A_289 = tpu.memref_slice %arg7[%run_scoped3A_227, %dma_wait3A_287, %dma_wait3A_288] : memref<2x128x128xf32, #tpu.memory_space<vmem>> -> memref<1x128x128xf32, #tpu.memory_space<vmem>>
          %dma_wait3A_290 = tpu.memref_squeeze %dma_wait3A_289 : memref<1x128x128xf32, #tpu.memory_space<vmem>> -> memref<128x128xf32, #tpu.memory_space<vmem>>
          %dma_wait3A_291 = arith.constant 0 : i32
          %dma_wait3A_292 = tpu.memref_slice %arg6[%run_scoped3A_228, %dma_wait3A_291] : memref<8x128xi32, #tpu.memory_space<vmem>> -> memref<1x128xi32, #tpu.memory_space<vmem>>
          %dma_wait3A_293 = tpu.memref_squeeze %dma_wait3A_292 : memref<1x128xi32, #tpu.memory_space<vmem>> -> memref<128xi32, #tpu.memory_space<vmem>>
          %dma_wait3A_294 = arith.constant 0 : i32
          %dma_wait3A_295 = arith.constant 0 : i32
          %dma_wait3A_296 = tpu.memref_slice %arg8[%dma_wait3A_294, %dma_wait3A_295] : memref<10240x128xf32, #tpu.memory_space<vmem_shared>> -> memref<10240x128xf32, #tpu.memory_space<vmem_shared>>
          tpu.wait_indirect_dma semaphore(%run_scoped3A_276 : memref<!tpu.dma_semaphore, #tpu.memory_space<semaphore_mem>>) src(%dma_wait3A_290 : memref<128x128xf32, #tpu.memory_space<vmem>>) dst(%dma_wait3A_296 : memref<10240x128xf32, #tpu.memory_space<vmem_shared>>)
          tpu.yield
        }) : () -> ()
        %mul3A_229 = arith.constant 1024 : i32
        %mul3A_230 = arith.muli %add3A_16, %mul3A_229 : i32
        %add3A_231 = arith.constant 896 : i32
        %add3A_232 = arith.addi %mul3A_230, %add3A_231 : i32
        %dma_start3A_233 = arith.constant 1 : i32
        %dma_start3A_234 = arith.constant 0 : i32
        %dma_start3A_235 = arith.constant 0 : i32
        %dma_start3A_236 = tpu.memref_slice %arg7[%dma_start3A_233, %dma_start3A_234, %dma_start3A_235] : memref<2x128x128xf32, #tpu.memory_space<vmem>> -> memref<1x128x128xf32, #tpu.memory_space<vmem>>
        %dma_start3A_237 = tpu.memref_squeeze %dma_start3A_236 : memref<1x128x128xf32, #tpu.memory_space<vmem>> -> memref<128x128xf32, #tpu.memory_space<vmem>>
        %dma_start3A_238 = arith.constant 0 : i32
        %dma_start3A_239 = tpu.memref_slice %arg3[%add3A_232, %dma_start3A_238] : memref<320512x128xf32, #tpu.memory_space<hbm>> -> memref<128x128xf32, #tpu.memory_space<hbm>>
        %dma_start3A_240 = arith.constant 0 : i32
        %dma_start3A_241 = arith.constant 0 : i32
        %dma_start3A_242 = tpu.memref_slice %arg7[%dma_start3A_233, %dma_start3A_240, %dma_start3A_241] : memref<2x128x128xf32, #tpu.memory_space<vmem>> -> memref<1x128x128xf32, #tpu.memory_space<vmem>>
        %dma_start3A_243 = tpu.memref_squeeze %dma_start3A_242 : memref<1x128x128xf32, #tpu.memory_space<vmem>> -> memref<128x128xf32, #tpu.memory_space<vmem>>
        %dma_start3A_244 = arith.constant 0 : i32
        %dma_start3A_245 = tpu.memref_slice %arg3[%add3A_232, %dma_start3A_244] : memref<320512x128xf32, #tpu.memory_space<hbm>> -> memref<128x128xf32, #tpu.memory_space<hbm>>
        tpu.enqueue_dma source(%dma_start3A_245 : memref<128x128xf32, #tpu.memory_space<hbm>>) target(%dma_start3A_243 : memref<128x128xf32, #tpu.memory_space<vmem>>) target_semaphore(%arg10 : memref<!tpu.dma_semaphore, #tpu.memory_space<semaphore_mem>>)
        %dma_wait3A_246 = arith.constant 0 : i32
        %dma_wait3A_247 = arith.constant 0 : i32
        %dma_wait3A_248 = arith.constant 0 : i32
        %dma_wait3A_249 = tpu.memref_slice %arg7[%dma_wait3A_246, %dma_wait3A_247, %dma_wait3A_248] : memref<2x128x128xf32, #tpu.memory_space<vmem>> -> memref<1x128x128xf32, #tpu.memory_space<vmem>>
        %dma_wait3A_250 = tpu.memref_squeeze %dma_wait3A_249 : memref<1x128x128xf32, #tpu.memory_space<vmem>> -> memref<128x128xf32, #tpu.memory_space<vmem>>
        %dma_wait3A_251 = arith.constant 0 : i32
        %dma_wait3A_252 = tpu.memref_slice %arg3[%add3A_200, %dma_wait3A_251] : memref<320512x128xf32, #tpu.memory_space<hbm>> -> memref<128x128xf32, #tpu.memory_space<hbm>>
        %dma_wait3A_253 = arith.constant 0 : i32
        %dma_wait3A_254 = arith.constant 0 : i32
        %dma_wait3A_255 = tpu.memref_slice %arg7[%dma_wait3A_246, %dma_wait3A_253, %dma_wait3A_254] : memref<2x128x128xf32, #tpu.memory_space<vmem>> -> memref<1x128x128xf32, #tpu.memory_space<vmem>>
        %dma_wait3A_256 = tpu.memref_squeeze %dma_wait3A_255 : memref<1x128x128xf32, #tpu.memory_space<vmem>> -> memref<128x128xf32, #tpu.memory_space<vmem>>
        %dma_wait3A_257 = arith.constant 0 : i32
        %dma_wait3A_258 = tpu.memref_slice %arg3[%add3A_200, %dma_wait3A_257] : memref<320512x128xf32, #tpu.memory_space<hbm>> -> memref<128x128xf32, #tpu.memory_space<hbm>>
        tpu.wait_dma2 semaphore(%arg9 : memref<!tpu.dma_semaphore, #tpu.memory_space<semaphore_mem>>) src(%dma_wait3A_258 : memref<128x128xf32, #tpu.memory_space<hbm>>) dst(%dma_wait3A_256 : memref<128x128xf32, #tpu.memory_space<vmem>>)
        %run_scoped3A_259 = arith.constant 0 : i32
        %run_scoped3A_260 = arith.constant 6 : i32
        "tpu.region"() ({
          %run_scoped3A_276 = tpu.sem_alloc : memref<!tpu.dma_semaphore, #tpu.memory_space<semaphore_mem>>
          %dma_start3A_277 = arith.constant 0 : i32
          %dma_start3A_278 = arith.constant 0 : i32
          %dma_start3A_279 = tpu.memref_slice %arg7[%run_scoped3A_259, %dma_start3A_277, %dma_start3A_278] : memref<2x128x128xf32, #tpu.memory_space<vmem>> -> memref<1x128x128xf32, #tpu.memory_space<vmem>>
          %dma_start3A_280 = tpu.memref_squeeze %dma_start3A_279 : memref<1x128x128xf32, #tpu.memory_space<vmem>> -> memref<128x128xf32, #tpu.memory_space<vmem>>
          %dma_start3A_281 = arith.constant 0 : i32
          %dma_start3A_282 = tpu.memref_slice %arg6[%run_scoped3A_260, %dma_start3A_281] : memref<8x128xi32, #tpu.memory_space<vmem>> -> memref<1x128xi32, #tpu.memory_space<vmem>>
          %dma_start3A_283 = tpu.memref_squeeze %dma_start3A_282 : memref<1x128xi32, #tpu.memory_space<vmem>> -> memref<128xi32, #tpu.memory_space<vmem>>
          %dma_start3A_284 = arith.constant 0 : i32
          %dma_start3A_285 = arith.constant 0 : i32
          %dma_start3A_286 = tpu.memref_slice %arg8[%dma_start3A_284, %dma_start3A_285] : memref<10240x128xf32, #tpu.memory_space<vmem_shared>> -> memref<10240x128xf32, #tpu.memory_space<vmem_shared>>
          tpu.enqueue_indirect_dma source(%dma_start3A_280 : memref<128x128xf32, #tpu.memory_space<vmem>>) target(%dma_start3A_286 : memref<10240x128xf32, #tpu.memory_space<vmem_shared>>) offsets(%dma_start3A_283 : memref<128xi32, #tpu.memory_space<vmem>>) semaphore(%run_scoped3A_276 : memref<!tpu.dma_semaphore, #tpu.memory_space<semaphore_mem>>) {add = true}
          %dma_wait3A_287 = arith.constant 0 : i32
          %dma_wait3A_288 = arith.constant 0 : i32
          %dma_wait3A_289 = tpu.memref_slice %arg7[%run_scoped3A_259, %dma_wait3A_287, %dma_wait3A_288] : memref<2x128x128xf32, #tpu.memory_space<vmem>> -> memref<1x128x128xf32, #tpu.memory_space<vmem>>
          %dma_wait3A_290 = tpu.memref_squeeze %dma_wait3A_289 : memref<1x128x128xf32, #tpu.memory_space<vmem>> -> memref<128x128xf32, #tpu.memory_space<vmem>>
          %dma_wait3A_291 = arith.constant 0 : i32
          %dma_wait3A_292 = tpu.memref_slice %arg6[%run_scoped3A_260, %dma_wait3A_291] : memref<8x128xi32, #tpu.memory_space<vmem>> -> memref<1x128xi32, #tpu.memory_space<vmem>>
          %dma_wait3A_293 = tpu.memref_squeeze %dma_wait3A_292 : memref<1x128xi32, #tpu.memory_space<vmem>> -> memref<128xi32, #tpu.memory_space<vmem>>
          %dma_wait3A_294 = arith.constant 0 : i32
          %dma_wait3A_295 = arith.constant 0 : i32
          %dma_wait3A_296 = tpu.memref_slice %arg8[%dma_wait3A_294, %dma_wait3A_295] : memref<10240x128xf32, #tpu.memory_space<vmem_shared>> -> memref<10240x128xf32, #tpu.memory_space<vmem_shared>>
          tpu.wait_indirect_dma semaphore(%run_scoped3A_276 : memref<!tpu.dma_semaphore, #tpu.memory_space<semaphore_mem>>) src(%dma_wait3A_290 : memref<128x128xf32, #tpu.memory_space<vmem>>) dst(%dma_wait3A_296 : memref<10240x128xf32, #tpu.memory_space<vmem_shared>>)
          tpu.yield
        }) : () -> ()
        %dma_wait3A_261 = arith.constant 1 : i32
        %dma_wait3A_262 = arith.constant 0 : i32
        %dma_wait3A_263 = arith.constant 0 : i32
        %dma_wait3A_264 = tpu.memref_slice %arg7[%dma_wait3A_261, %dma_wait3A_262, %dma_wait3A_263] : memref<2x128x128xf32, #tpu.memory_space<vmem>> -> memref<1x128x128xf32, #tpu.memory_space<vmem>>
        %dma_wait3A_265 = tpu.memref_squeeze %dma_wait3A_264 : memref<1x128x128xf32, #tpu.memory_space<vmem>> -> memref<128x128xf32, #tpu.memory_space<vmem>>
        %dma_wait3A_266 = arith.constant 0 : i32
        %dma_wait3A_267 = tpu.memref_slice %arg3[%add3A_232, %dma_wait3A_266] : memref<320512x128xf32, #tpu.memory_space<hbm>> -> memref<128x128xf32, #tpu.memory_space<hbm>>
        %dma_wait3A_268 = arith.constant 0 : i32
        %dma_wait3A_269 = arith.constant 0 : i32
        %dma_wait3A_270 = tpu.memref_slice %arg7[%dma_wait3A_261, %dma_wait3A_268, %dma_wait3A_269] : memref<2x128x128xf32, #tpu.memory_space<vmem>> -> memref<1x128x128xf32, #tpu.memory_space<vmem>>
        %dma_wait3A_271 = tpu.memref_squeeze %dma_wait3A_270 : memref<1x128x128xf32, #tpu.memory_space<vmem>> -> memref<128x128xf32, #tpu.memory_space<vmem>>
        %dma_wait3A_272 = arith.constant 0 : i32
        %dma_wait3A_273 = tpu.memref_slice %arg3[%add3A_232, %dma_wait3A_272] : memref<320512x128xf32, #tpu.memory_space<hbm>> -> memref<128x128xf32, #tpu.memory_space<hbm>>
        tpu.wait_dma2 semaphore(%arg10 : memref<!tpu.dma_semaphore, #tpu.memory_space<semaphore_mem>>) src(%dma_wait3A_273 : memref<128x128xf32, #tpu.memory_space<hbm>>) dst(%dma_wait3A_271 : memref<128x128xf32, #tpu.memory_space<vmem>>)
        %run_scoped3A_274 = arith.constant 1 : i32
        %run_scoped3A_275 = arith.constant 7 : i32
        "tpu.region"() ({
          %run_scoped3A_276 = tpu.sem_alloc : memref<!tpu.dma_semaphore, #tpu.memory_space<semaphore_mem>>
          %dma_start3A_277 = arith.constant 0 : i32
          %dma_start3A_278 = arith.constant 0 : i32
          %dma_start3A_279 = tpu.memref_slice %arg7[%run_scoped3A_274, %dma_start3A_277, %dma_start3A_278] : memref<2x128x128xf32, #tpu.memory_space<vmem>> -> memref<1x128x128xf32, #tpu.memory_space<vmem>>
          %dma_start3A_280 = tpu.memref_squeeze %dma_start3A_279 : memref<1x128x128xf32, #tpu.memory_space<vmem>> -> memref<128x128xf32, #tpu.memory_space<vmem>>
          %dma_start3A_281 = arith.constant 0 : i32
          %dma_start3A_282 = tpu.memref_slice %arg6[%run_scoped3A_275, %dma_start3A_281] : memref<8x128xi32, #tpu.memory_space<vmem>> -> memref<1x128xi32, #tpu.memory_space<vmem>>
          %dma_start3A_283 = tpu.memref_squeeze %dma_start3A_282 : memref<1x128xi32, #tpu.memory_space<vmem>> -> memref<128xi32, #tpu.memory_space<vmem>>
          %dma_start3A_284 = arith.constant 0 : i32
          %dma_start3A_285 = arith.constant 0 : i32
          %dma_start3A_286 = tpu.memref_slice %arg8[%dma_start3A_284, %dma_start3A_285] : memref<10240x128xf32, #tpu.memory_space<vmem_shared>> -> memref<10240x128xf32, #tpu.memory_space<vmem_shared>>
          tpu.enqueue_indirect_dma source(%dma_start3A_280 : memref<128x128xf32, #tpu.memory_space<vmem>>) target(%dma_start3A_286 : memref<10240x128xf32, #tpu.memory_space<vmem_shared>>) offsets(%dma_start3A_283 : memref<128xi32, #tpu.memory_space<vmem>>) semaphore(%run_scoped3A_276 : memref<!tpu.dma_semaphore, #tpu.memory_space<semaphore_mem>>) {add = true}
          %dma_wait3A_287 = arith.constant 0 : i32
          %dma_wait3A_288 = arith.constant 0 : i32
          %dma_wait3A_289 = tpu.memref_slice %arg7[%run_scoped3A_274, %dma_wait3A_287, %dma_wait3A_288] : memref<2x128x128xf32, #tpu.memory_space<vmem>> -> memref<1x128x128xf32, #tpu.memory_space<vmem>>
          %dma_wait3A_290 = tpu.memref_squeeze %dma_wait3A_289 : memref<1x128x128xf32, #tpu.memory_space<vmem>> -> memref<128x128xf32, #tpu.memory_space<vmem>>
          %dma_wait3A_291 = arith.constant 0 : i32
          %dma_wait3A_292 = tpu.memref_slice %arg6[%run_scoped3A_275, %dma_wait3A_291] : memref<8x128xi32, #tpu.memory_space<vmem>> -> memref<1x128xi32, #tpu.memory_space<vmem>>
          %dma_wait3A_293 = tpu.memref_squeeze %dma_wait3A_292 : memref<1x128xi32, #tpu.memory_space<vmem>> -> memref<128xi32, #tpu.memory_space<vmem>>
          %dma_wait3A_294 = arith.constant 0 : i32
          %dma_wait3A_295 = arith.constant 0 : i32
          %dma_wait3A_296 = tpu.memref_slice %arg8[%dma_wait3A_294, %dma_wait3A_295] : memref<10240x128xf32, #tpu.memory_space<vmem_shared>> -> memref<10240x128xf32, #tpu.memory_space<vmem_shared>>
          tpu.wait_indirect_dma semaphore(%run_scoped3A_276 : memref<!tpu.dma_semaphore, #tpu.memory_space<semaphore_mem>>) src(%dma_wait3A_290 : memref<128x128xf32, #tpu.memory_space<vmem>>) dst(%dma_wait3A_296 : memref<10240x128xf32, #tpu.memory_space<vmem_shared>>)
          tpu.yield
        }) : () -> ()
      } else {
      }
    }
    %scan3A_6 = arith.constant 10 : i32
    %barrier3A_7 = arith.constant 0 : index
    tpu.barrier barrier_id(%barrier3A_7)
    %scan3A_8 = arith.constant 0 : i32
    %scan3A_9 = arith.constant 8 : i32
    %scan3A_10 = arith.addi %scan3A_8, %scan3A_9 : i32
    %scan3A_11 = arith.constant 1 : i32
    scf.for %scan3A_13 = %scan3A_8 to %scan3A_10 step %scan3A_11  : i32 {
      %mul3A_14 = arith.constant 16 : i32
      %mul3A_15 = arith.muli %scan3A_13, %mul3A_14 : i32
      %add3A_16 = arith.addi %mul3A_15, %arg1 : i32
      %lt3A = arith.constant 125 : i32
      %lt3A_17 = arith.cmpi slt, %add3A_16, %lt3A : i32
      %convert_element_type3A_18 = arith.extui %lt3A_17 : i1 to i32
      %cond3A_19 = arith.constant 0 : i32
      %cond3A_20 = arith.cmpi ne, %convert_element_type3A_18, %cond3A_19 : i32
      scf.if %cond3A_20 {
        %mul3A_21 = arith.constant 80 : i32
        %mul3A_22 = arith.muli %add3A_16, %mul3A_21 : i32
        %mul3A_23 = arith.constant 80 : i32
        %mul3A_24 = arith.muli %add3A_16, %mul3A_23 : i32
        "tpu.region"() ({
          %run_scoped3A = tpu.sem_alloc : memref<!tpu.dma_semaphore, #tpu.memory_space<semaphore_mem>>
          %dma_start3A = arith.constant 0 : i32
          %dma_start3A_25 = tpu.memref_slice %arg5[%arg0, %mul3A_24, %dma_start3A] : memref<2x10000x128xf32, #tpu.memory_space<hbm>> -> memref<1x80x128xf32, #tpu.memory_space<hbm>>
          %dma_start3A_26 = tpu.memref_squeeze %dma_start3A_25 : memref<1x80x128xf32, #tpu.memory_space<hbm>> -> memref<80x128xf32, #tpu.memory_space<hbm>>
          %dma_start3A_27 = arith.constant 0 : i32
          %dma_start3A_28 = tpu.memref_slice %arg8[%mul3A_22, %dma_start3A_27] : memref<10240x128xf32, #tpu.memory_space<vmem_shared>> -> memref<80x128xf32, #tpu.memory_space<vmem_shared>>
          tpu.enqueue_dma source(%dma_start3A_28 : memref<80x128xf32, #tpu.memory_space<vmem_shared>>) target(%dma_start3A_26 : memref<80x128xf32, #tpu.memory_space<hbm>>) target_semaphore(%run_scoped3A : memref<!tpu.dma_semaphore, #tpu.memory_space<semaphore_mem>>)
          %dma_wait3A = arith.constant 0 : i32
          %dma_wait3A_29 = tpu.memref_slice %arg5[%arg0, %mul3A_24, %dma_wait3A] : memref<2x10000x128xf32, #tpu.memory_space<hbm>> -> memref<1x80x128xf32, #tpu.memory_space<hbm>>
          %dma_wait3A_30 = tpu.memref_squeeze %dma_wait3A_29 : memref<1x80x128xf32, #tpu.memory_space<hbm>> -> memref<80x128xf32, #tpu.memory_space<hbm>>
          %dma_wait3A_31 = arith.constant 0 : i32
          %dma_wait3A_32 = tpu.memref_slice %arg8[%mul3A_22, %dma_wait3A_31] : memref<10240x128xf32, #tpu.memory_space<vmem_shared>> -> memref<80x128xf32, #tpu.memory_space<vmem_shared>>
          tpu.wait_dma2 semaphore(%run_scoped3A : memref<!tpu.dma_semaphore, #tpu.memory_space<semaphore_mem>>) src(%dma_wait3A_32 : memref<80x128xf32, #tpu.memory_space<vmem_shared>>) dst(%dma_wait3A_30 : memref<80x128xf32, #tpu.memory_space<hbm>>)
          tpu.yield
        }) : () -> ()
      } else {
      }
    }
    %scan3A_12 = arith.constant 8 : i32
    return
  }
}

module attributes {stable_mosaic.version = 14 : i64} {
  func.func @_pre_body(%arg0: i32, %arg1: memref<1024x128xf32, #tpu.memory_space<vmem>>, %arg2: memref<128x128xf32, #tpu.memory_space<vmem>>, %arg3: memref<128x128xf32, #tpu.memory_space<vmem>>, %arg4: memref<2x1024x128xf32, #tpu.memory_space<vmem>>) attributes {dimension_semantics = [#tpu.dimension_semantics<arbitrary>], iteration_bounds = array<i64: 10>, scalar_prefetch = 0 : i64, scratch_operands = 0 : i64, tpu.core_type = #tpu.core_type<tc>, window_params = [{transform_indices = @transform_0, window_bounds = array<i64: 1024, 128>}, {pipeline_mode = #tpu.pipeline_mode<synchronous>, transform_indices = @transform_1, window_bounds = array<i64: 128, 128>}, {pipeline_mode = #tpu.pipeline_mode<synchronous>, transform_indices = @transform_2, window_bounds = array<i64: 128, 128>}, {transform_indices = @transform_3, window_bounds = array<i64: 2, 1024, 128>}]} {
    %get3A = arith.constant 0 : index
    %get3A_0 = arith.constant 0 : index
    %get3A_1 = vector.load %arg1[%get3A, %get3A_0] : memref<1024x128xf32, #tpu.memory_space<vmem>>, vector<1024x128xf32>
    %get3A_2 = arith.constant 0 : index
    %get3A_3 = arith.constant 0 : index
    %get3A_4 = vector.load %arg2[%get3A_2, %get3A_3] : memref<128x128xf32, #tpu.memory_space<vmem>>, vector<128x128xf32>
    %dot_general3A = arith.constant dense<0.000000e+00> : vector<1024x128xf32>
    %dot_general3A_5 = tpu.matmul %get3A_1, %get3A_4, %dot_general3A {dimension_numbers = #tpu.dot_dimension_numbers<[1], [0], [0], [1], [0, 0, 1, 1], [], []>, transpose_lhs_hint = false} : vector<1024x128xf32>, vector<128x128xf32>, vector<1024x128xf32> -> vector<1024x128xf32>
    %swap3A = arith.constant 0 : index
    %swap3A_6 = arith.constant 0 : index
    %swap3A_7 = arith.constant 0 : index
    %swap3A_8 = vector.load %arg4[%swap3A, %swap3A_6, %swap3A_7] : memref<2x1024x128xf32, #tpu.memory_space<vmem>>, vector<1x1024x128xf32>
    %swap3A_9 = vector.shape_cast %swap3A_8 : vector<1x1024x128xf32> to vector<1024x128xf32>
    %swap3A_10 = vector.shape_cast %dot_general3A_5 : vector<1024x128xf32> to vector<1x1024x128xf32>
    tpu.vector_store %arg4[%swap3A, %swap3A_6, %swap3A_7], %swap3A_10 {strides = array<i32>} : memref<2x1024x128xf32, #tpu.memory_space<vmem>>, vector<1x1024x128xf32>,
    %get3A_11 = arith.constant 0 : index
    %get3A_12 = arith.constant 0 : index
    %get3A_13 = vector.load %arg3[%get3A_11, %get3A_12] : memref<128x128xf32, #tpu.memory_space<vmem>>, vector<128x128xf32>
    %dot_general3A_14 = arith.constant dense<0.000000e+00> : vector<1024x128xf32>
    %dot_general3A_15 = tpu.matmul %get3A_1, %get3A_13, %dot_general3A_14 {dimension_numbers = #tpu.dot_dimension_numbers<[1], [0], [0], [1], [0, 0, 1, 1], [], []>, transpose_lhs_hint = false} : vector<1024x128xf32>, vector<128x128xf32>, vector<1024x128xf32> -> vector<1024x128xf32>
    %swap3A_16 = arith.constant 1 : index
    %swap3A_17 = arith.constant 0 : index
    %swap3A_18 = arith.constant 0 : index
    %swap3A_19 = vector.load %arg4[%swap3A_16, %swap3A_17, %swap3A_18] : memref<2x1024x128xf32, #tpu.memory_space<vmem>>, vector<1x1024x128xf32>
    %swap3A_20 = vector.shape_cast %swap3A_19 : vector<1x1024x128xf32> to vector<1024x128xf32>
    %swap3A_21 = vector.shape_cast %dot_general3A_15 : vector<1024x128xf32> to vector<1x1024x128xf32>
    tpu.vector_store %arg4[%swap3A_16, %swap3A_17, %swap3A_18], %swap3A_21 {strides = array<i32>} : memref<2x1024x128xf32, #tpu.memory_space<vmem>>, vector<1x1024x128xf32>,
    return
  }
  func.func @transform_0(%arg0: i32) -> (i32, i32) {
    %c0_i32 = arith.constant 0 : i32
    %c0_i32_0 = arith.constant 0 : i32
    return %arg0, %c0_i32 : i32, i32
  }
  func.func @transform_1(%arg0: i32) -> (i32, i32) {
    %c0_i32 = arith.constant 0 : i32
    %c0_i32_0 = arith.constant 0 : i32
    %c0_i32_1 = arith.constant 0 : i32
    return %c0_i32, %c0_i32_0 : i32, i32
  }
  func.func @transform_2(%arg0: i32) -> (i32, i32) {
    %c0_i32 = arith.constant 0 : i32
    %c0_i32_0 = arith.constant 0 : i32
    %c0_i32_1 = arith.constant 0 : i32
    return %c0_i32, %c0_i32_0 : i32, i32
  }
  func.func @transform_3(%arg0: i32) -> (i32, i32, i32) {
    %c0_i32 = arith.constant 0 : i32
    %c0_i32_0 = arith.constant 0 : i32
    %c0_i32_1 = arith.constant 0 : i32
    return %c0_i32, %arg0, %c0_i32_0 : i32, i32, i32
  }
}

module attributes {stable_mosaic.version = 14 : i64} {
  func.func @_msg_body(%arg0: i32, %arg1: memref<1024x128xf32, #tpu.memory_space<vmem>>, %arg2: memref<1024x128xf32, #tpu.memory_space<vmem>>, %arg3: memref<1x128xf32, #tpu.memory_space<vmem>>, %arg4: memref<128x128xf32, #tpu.memory_space<vmem>>, %arg5: memref<1x128xf32, #tpu.memory_space<vmem>>, %arg6: memref<1024x128xf32, #tpu.memory_space<vmem>>) attributes {dimension_semantics = [#tpu.dimension_semantics<arbitrary>], iteration_bounds = array<i64: 313>, scalar_prefetch = 0 : i64, scratch_operands = 0 : i64, tpu.core_type = #tpu.core_type<tc>, window_params = [{transform_indices = @transform_0, window_bounds = array<i64: 1024, 128>}, {transform_indices = @transform_1, window_bounds = array<i64: 1024, 128>}, {pipeline_mode = #tpu.pipeline_mode<synchronous>, transform_indices = @transform_2, window_bounds = array<i64: 1, 128>}, {pipeline_mode = #tpu.pipeline_mode<synchronous>, transform_indices = @transform_3, window_bounds = array<i64: 128, 128>}, {pipeline_mode = #tpu.pipeline_mode<synchronous>, transform_indices = @transform_4, window_bounds = array<i64: 1, 128>}, {transform_indices = @transform_5, window_bounds = array<i64: 1024, 128>}]} {
    %get3A = arith.constant 0 : index
    %get3A_0 = arith.constant 0 : index
    %get3A_1 = vector.load %arg1[%get3A, %get3A_0] : memref<1024x128xf32, #tpu.memory_space<vmem>>, vector<1024x128xf32>
    %get3A_2 = arith.constant 0 : index
    %get3A_3 = arith.constant 0 : index
    %get3A_4 = vector.load %arg2[%get3A_2, %get3A_3] : memref<1024x128xf32, #tpu.memory_space<vmem>>, vector<1024x128xf32>
    %add3A = arith.addf %get3A_1, %get3A_4 : vector<1024x128xf32>
    %get3A_5 = arith.constant 0 : index
    %get3A_6 = arith.constant 0 : index
    %get3A_7 = vector.load %arg3[%get3A_5, %get3A_6] : memref<1x128xf32, #tpu.memory_space<vmem>>, vector<1x128xf32>
    %add3A_8 = vector.broadcast %get3A_7 : vector<1x128xf32> to vector<1024x128xf32>
    %add3A_9 = arith.addf %add3A, %add3A_8 : vector<1024x128xf32>
    %logistic3A = arith.negf %add3A_9 : vector<1024x128xf32>
    %logistic3A_10 = math.exp %logistic3A : vector<1024x128xf32>
    %logistic3A_11 = arith.constant 1.000000e+00 : f32
    %logistic3A_12 = vector.broadcast %logistic3A_11 : f32 to vector<1024x128xf32>
    %logistic3A_13 = arith.addf %logistic3A_12, %logistic3A_10 : vector<1024x128xf32>
    %logistic3A_14 = arith.divf %logistic3A_12, %logistic3A_13 : vector<1024x128xf32>
    %get3A_15 = arith.constant 0 : index
    %get3A_16 = arith.constant 0 : index
    %get3A_17 = vector.load %arg4[%get3A_15, %get3A_16] : memref<128x128xf32, #tpu.memory_space<vmem>>, vector<128x128xf32>
    %dot_general3A = arith.constant dense<0.000000e+00> : vector<1024x128xf32>
    %dot_general3A_18 = tpu.matmul %logistic3A_14, %get3A_17, %dot_general3A {dimension_numbers = #tpu.dot_dimension_numbers<[1], [0], [0], [1], [0, 0, 1, 1], [], []>, transpose_lhs_hint = false} : vector<1024x128xf32>, vector<128x128xf32>, vector<1024x128xf32> -> vector<1024x128xf32>
    %get3A_19 = arith.constant 0 : index
    %get3A_20 = arith.constant 0 : index
    %get3A_21 = vector.load %arg5[%get3A_19, %get3A_20] : memref<1x128xf32, #tpu.memory_space<vmem>>, vector<1x128xf32>
    %add3A_22 = vector.broadcast %get3A_21 : vector<1x128xf32> to vector<1024x128xf32>
    %add3A_23 = arith.addf %dot_general3A_18, %add3A_22 : vector<1024x128xf32>
    %abs3A = math.absf %add3A_23 : vector<1024x128xf32>
    %add3A_24 = arith.constant 1.000000e+00 : f32
    %add3A_25 = vector.broadcast %add3A_24 : f32 to vector<1024x128xf32>
    %add3A_26 = arith.addf %add3A_25, %abs3A : vector<1024x128xf32>
    %div3A = arith.divf %add3A_23, %add3A_26 : vector<1024x128xf32>
    %swap3A = arith.constant 0 : index
    %swap3A_27 = arith.constant 0 : index
    %swap3A_28 = vector.load %arg6[%swap3A, %swap3A_27] : memref<1024x128xf32, #tpu.memory_space<vmem>>, vector<1024x128xf32>
    tpu.vector_store %arg6[%swap3A, %swap3A_27], %div3A {strides = array<i32>} : memref<1024x128xf32, #tpu.memory_space<vmem>>, vector<1024x128xf32>,
    return
  }
  func.func @transform_0(%arg0: i32) -> (i32, i32) {
    %c0_i32 = arith.constant 0 : i32
    %c0_i32_0 = arith.constant 0 : i32
    return %arg0, %c0_i32 : i32, i32
  }
  func.func @transform_1(%arg0: i32) -> (i32, i32) {
    %c0_i32 = arith.constant 0 : i32
    %c0_i32_0 = arith.constant 0 : i32
    return %arg0, %c0_i32 : i32, i32
  }
  func.func @transform_2(%arg0: i32) -> (i32, i32) {
    %c0_i32 = arith.constant 0 : i32
    %c0_i32_0 = arith.constant 0 : i32
    %c0_i32_1 = arith.constant 0 : i32
    return %c0_i32, %c0_i32_0 : i32, i32
  }
  func.func @transform_3(%arg0: i32) -> (i32, i32) {
    %c0_i32 = arith.constant 0 : i32
    %c0_i32_0 = arith.constant 0 : i32
    %c0_i32_1 = arith.constant 0 : i32
    return %c0_i32, %c0_i32_0 : i32, i32
  }
  func.func @transform_4(%arg0: i32) -> (i32, i32) {
    %c0_i32 = arith.constant 0 : i32
    %c0_i32_0 = arith.constant 0 : i32
    %c0_i32_1 = arith.constant 0 : i32
    return %c0_i32, %c0_i32_0 : i32, i32
  }
  func.func @transform_5(%arg0: i32) -> (i32, i32) {
    %c0_i32 = arith.constant 0 : i32
    %c0_i32_0 = arith.constant 0 : i32
    return %arg0, %c0_i32 : i32, i32
  }
}

module attributes {stable_mosaic.version = 14 : i64} {
  func.func @_fin_body(%arg0: i32, %arg1: memref<1000x128xf32, #tpu.memory_space<vmem>>, %arg2: memref<1000x128xf32, #tpu.memory_space<vmem>>, %arg3: memref<1000x128xf32, #tpu.memory_space<vmem>>, %arg4: memref<1000x128xf32, #tpu.memory_space<vmem>>, %arg5: memref<128x128xf32, #tpu.memory_space<vmem>>, %arg6: memref<128x128xf32, #tpu.memory_space<vmem>>, %arg7: memref<128x128xf32, #tpu.memory_space<vmem>>, %arg8: memref<1x128xf32, #tpu.memory_space<vmem>>, %arg9: memref<128x128xf32, #tpu.memory_space<vmem>>, %arg10: memref<1x128xf32, #tpu.memory_space<vmem>>, %arg11: memref<1000x128xf32, #tpu.memory_space<vmem>>) attributes {dimension_semantics = [#tpu.dimension_semantics<arbitrary>], iteration_bounds = array<i64: 10>, scalar_prefetch = 0 : i64, scratch_operands = 0 : i64, tpu.core_type = #tpu.core_type<tc>, window_params = [{transform_indices = @transform_0, window_bounds = array<i64: 1000, 128>}, {transform_indices = @transform_1, window_bounds = array<i64: 1000, 128>}, {transform_indices = @transform_2, window_bounds = array<i64: 1000, 128>}, {transform_indices = @transform_3, window_bounds = array<i64: 1000, 128>}, {pipeline_mode = #tpu.pipeline_mode<synchronous>, transform_indices = @transform_4, window_bounds = array<i64: 128, 128>}, {pipeline_mode = #tpu.pipeline_mode<synchronous>, transform_indices = @transform_5, window_bounds = array<i64: 128, 128>}, {pipeline_mode = #tpu.pipeline_mode<synchronous>, transform_indices = @transform_6, window_bounds = array<i64: 128, 128>}, {pipeline_mode = #tpu.pipeline_mode<synchronous>, transform_indices = @transform_7, window_bounds = array<i64: 1, 128>}, {pipeline_mode = #tpu.pipeline_mode<synchronous>, transform_indices = @transform_8, window_bounds = array<i64: 128, 128>}, {pipeline_mode = #tpu.pipeline_mode<synchronous>, transform_indices = @transform_9, window_bounds = array<i64: 1, 128>}, {transform_indices = @transform_10, window_bounds = array<i64: 1000, 128>}]} {
    %get3A = arith.constant 0 : index
    %get3A_0 = arith.constant 0 : index
    %get3A_1 = vector.load %arg1[%get3A, %get3A_0] : memref<1000x128xf32, #tpu.memory_space<vmem>>, vector<1000x128xf32>
    %logistic3A = arith.negf %get3A_1 : vector<1000x128xf32>
    %logistic3A_2 = math.exp %logistic3A : vector<1000x128xf32>
    %logistic3A_3 = arith.constant 1.000000e+00 : f32
    %logistic3A_4 = vector.broadcast %logistic3A_3 : f32 to vector<1000x128xf32>
    %logistic3A_5 = arith.addf %logistic3A_4, %logistic3A_2 : vector<1000x128xf32>
    %logistic3A_6 = arith.divf %logistic3A_4, %logistic3A_5 : vector<1000x128xf32>
    %get3A_7 = arith.constant 0 : index
    %get3A_8 = arith.constant 0 : index
    %get3A_9 = vector.load %arg2[%get3A_7, %get3A_8] : memref<1000x128xf32, #tpu.memory_space<vmem>>, vector<1000x128xf32>
    %get3A_10 = arith.constant 0 : index
    %get3A_11 = arith.constant 0 : index
    %get3A_12 = vector.load %arg3[%get3A_10, %get3A_11] : memref<1000x128xf32, #tpu.memory_space<vmem>>, vector<1000x128xf32>
    %add3A = arith.addf %get3A_9, %get3A_12 : vector<1000x128xf32>
    %logistic3A_13 = arith.negf %add3A : vector<1000x128xf32>
    %logistic3A_14 = math.exp %logistic3A_13 : vector<1000x128xf32>
    %logistic3A_15 = arith.constant 1.000000e+00 : f32
    %logistic3A_16 = vector.broadcast %logistic3A_15 : f32 to vector<1000x128xf32>
    %logistic3A_17 = arith.addf %logistic3A_16, %logistic3A_14 : vector<1000x128xf32>
    %logistic3A_18 = arith.divf %logistic3A_16, %logistic3A_17 : vector<1000x128xf32>
    %get3A_19 = arith.constant 0 : index
    %get3A_20 = arith.constant 0 : index
    %get3A_21 = vector.load %arg4[%get3A_19, %get3A_20] : memref<1000x128xf32, #tpu.memory_space<vmem>>, vector<1000x128xf32>
    %logistic3A_22 = arith.negf %get3A_21 : vector<1000x128xf32>
    %logistic3A_23 = math.exp %logistic3A_22 : vector<1000x128xf32>
    %logistic3A_24 = arith.constant 1.000000e+00 : f32
    %logistic3A_25 = vector.broadcast %logistic3A_24 : f32 to vector<1000x128xf32>
    %logistic3A_26 = arith.addf %logistic3A_25, %logistic3A_23 : vector<1000x128xf32>
    %logistic3A_27 = arith.divf %logistic3A_25, %logistic3A_26 : vector<1000x128xf32>
    %get3A_28 = arith.constant 0 : index
    %get3A_29 = arith.constant 0 : index
    %get3A_30 = vector.load %arg5[%get3A_28, %get3A_29] : memref<128x128xf32, #tpu.memory_space<vmem>>, vector<128x128xf32>
    %dot_general3A = arith.constant dense<0.000000e+00> : vector<1000x128xf32>
    %dot_general3A_31 = tpu.matmul %logistic3A_6, %get3A_30, %dot_general3A {dimension_numbers = #tpu.dot_dimension_numbers<[1], [0], [0], [1], [0, 0, 1, 1], [], []>, transpose_lhs_hint = false} : vector<1000x128xf32>, vector<128x128xf32>, vector<1000x128xf32> -> vector<1000x128xf32>
    %get3A_32 = arith.constant 0 : index
    %get3A_33 = arith.constant 0 : index
    %get3A_34 = vector.load %arg6[%get3A_32, %get3A_33] : memref<128x128xf32, #tpu.memory_space<vmem>>, vector<128x128xf32>
    %dot_general3A_35 = arith.constant dense<0.000000e+00> : vector<1000x128xf32>
    %dot_general3A_36 = tpu.matmul %logistic3A_18, %get3A_34, %dot_general3A_35 {dimension_numbers = #tpu.dot_dimension_numbers<[1], [0], [0], [1], [0, 0, 1, 1], [], []>, transpose_lhs_hint = false} : vector<1000x128xf32>, vector<128x128xf32>, vector<1000x128xf32> -> vector<1000x128xf32>
    %add3A_37 = arith.addf %dot_general3A_31, %dot_general3A_36 : vector<1000x128xf32>
    %get3A_38 = arith.constant 0 : index
    %get3A_39 = arith.constant 0 : index
    %get3A_40 = vector.load %arg7[%get3A_38, %get3A_39] : memref<128x128xf32, #tpu.memory_space<vmem>>, vector<128x128xf32>
    %dot_general3A_41 = arith.constant dense<0.000000e+00> : vector<1000x128xf32>
    %dot_general3A_42 = tpu.matmul %logistic3A_27, %get3A_40, %dot_general3A_41 {dimension_numbers = #tpu.dot_dimension_numbers<[1], [0], [0], [1], [0, 0, 1, 1], [], []>, transpose_lhs_hint = false} : vector<1000x128xf32>, vector<128x128xf32>, vector<1000x128xf32> -> vector<1000x128xf32>
    %add3A_43 = arith.addf %add3A_37, %dot_general3A_42 : vector<1000x128xf32>
    %get3A_44 = arith.constant 0 : index
    %get3A_45 = arith.constant 0 : index
    %get3A_46 = vector.load %arg8[%get3A_44, %get3A_45] : memref<1x128xf32, #tpu.memory_space<vmem>>, vector<1x128xf32>
    %add3A_47 = vector.broadcast %get3A_46 : vector<1x128xf32> to vector<1000x128xf32>
    %add3A_48 = arith.addf %add3A_43, %add3A_47 : vector<1000x128xf32>
    %logistic3A_49 = arith.negf %add3A_48 : vector<1000x128xf32>
    %logistic3A_50 = math.exp %logistic3A_49 : vector<1000x128xf32>
    %logistic3A_51 = arith.constant 1.000000e+00 : f32
    %logistic3A_52 = vector.broadcast %logistic3A_51 : f32 to vector<1000x128xf32>
    %logistic3A_53 = arith.addf %logistic3A_52, %logistic3A_50 : vector<1000x128xf32>
    %logistic3A_54 = arith.divf %logistic3A_52, %logistic3A_53 : vector<1000x128xf32>
    %get3A_55 = arith.constant 0 : index
    %get3A_56 = arith.constant 0 : index
    %get3A_57 = vector.load %arg9[%get3A_55, %get3A_56] : memref<128x128xf32, #tpu.memory_space<vmem>>, vector<128x128xf32>
    %dot_general3A_58 = arith.constant dense<0.000000e+00> : vector<1000x128xf32>
    %dot_general3A_59 = tpu.matmul %logistic3A_54, %get3A_57, %dot_general3A_58 {dimension_numbers = #tpu.dot_dimension_numbers<[1], [0], [0], [1], [0, 0, 1, 1], [], []>, transpose_lhs_hint = false} : vector<1000x128xf32>, vector<128x128xf32>, vector<1000x128xf32> -> vector<1000x128xf32>
    %get3A_60 = arith.constant 0 : index
    %get3A_61 = arith.constant 0 : index
    %get3A_62 = vector.load %arg10[%get3A_60, %get3A_61] : memref<1x128xf32, #tpu.memory_space<vmem>>, vector<1x128xf32>
    %add3A_63 = vector.broadcast %get3A_62 : vector<1x128xf32> to vector<1000x128xf32>
    %add3A_64 = arith.addf %dot_general3A_59, %add3A_63 : vector<1000x128xf32>
    %abs3A = math.absf %add3A_64 : vector<1000x128xf32>
    %add3A_65 = arith.constant 1.000000e+00 : f32
    %add3A_66 = vector.broadcast %add3A_65 : f32 to vector<1000x128xf32>
    %add3A_67 = arith.addf %add3A_66, %abs3A : vector<1000x128xf32>
    %div3A = arith.divf %add3A_64, %add3A_67 : vector<1000x128xf32>
    %swap3A = arith.constant 0 : index
    %swap3A_68 = arith.constant 0 : index
    %swap3A_69 = vector.load %arg11[%swap3A, %swap3A_68] : memref<1000x128xf32, #tpu.memory_space<vmem>>, vector<1000x128xf32>
    tpu.vector_store %arg11[%swap3A, %swap3A_68], %div3A {strides = array<i32>} : memref<1000x128xf32, #tpu.memory_space<vmem>>, vector<1000x128xf32>,
    return
  }
  func.func @transform_0(%arg0: i32) -> (i32, i32) {
    %c0_i32 = arith.constant 0 : i32
    %c0_i32_0 = arith.constant 0 : i32
    return %arg0, %c0_i32 : i32, i32
  }
  func.func @transform_1(%arg0: i32) -> (i32, i32) {
    %c0_i32 = arith.constant 0 : i32
    %c0_i32_0 = arith.constant 0 : i32
    return %arg0, %c0_i32 : i32, i32
  }
  func.func @transform_2(%arg0: i32) -> (i32, i32) {
    %c0_i32 = arith.constant 0 : i32
    %c0_i32_0 = arith.constant 0 : i32
    return %arg0, %c0_i32 : i32, i32
  }
  func.func @transform_3(%arg0: i32) -> (i32, i32) {
    %c0_i32 = arith.constant 0 : i32
    %c0_i32_0 = arith.constant 0 : i32
    return %arg0, %c0_i32 : i32, i32
  }
  func.func @transform_4(%arg0: i32) -> (i32, i32) {
    %c0_i32 = arith.constant 0 : i32
    %c0_i32_0 = arith.constant 0 : i32
    %c0_i32_1 = arith.constant 0 : i32
    return %c0_i32, %c0_i32_0 : i32, i32
  }
  func.func @transform_5(%arg0: i32) -> (i32, i32) {
    %c0_i32 = arith.constant 0 : i32
    %c0_i32_0 = arith.constant 0 : i32
    %c0_i32_1 = arith.constant 0 : i32
    return %c0_i32, %c0_i32_0 : i32, i32
  }
  func.func @transform_6(%arg0: i32) -> (i32, i32) {
    %c0_i32 = arith.constant 0 : i32
    %c0_i32_0 = arith.constant 0 : i32
    %c0_i32_1 = arith.constant 0 : i32
    return %c0_i32, %c0_i32_0 : i32, i32
  }
  func.func @transform_7(%arg0: i32) -> (i32, i32) {
    %c0_i32 = arith.constant 0 : i32
    %c0_i32_0 = arith.constant 0 : i32
    %c0_i32_1 = arith.constant 0 : i32
    return %c0_i32, %c0_i32_0 : i32, i32
  }
  func.func @transform_8(%arg0: i32) -> (i32, i32) {
    %c0_i32 = arith.constant 0 : i32
    %c0_i32_0 = arith.constant 0 : i32
    %c0_i32_1 = arith.constant 0 : i32
    return %c0_i32, %c0_i32_0 : i32, i32
  }
  func.func @transform_9(%arg0: i32) -> (i32, i32) {
    %c0_i32 = arith.constant 0 : i32
    %c0_i32_0 = arith.constant 0 : i32
    %c0_i32_1 = arith.constant 0 : i32
    return %c0_i32, %c0_i32_0 : i32, i32
  }
  func.func @transform_10(%arg0: i32) -> (i32, i32) {
    %c0_i32 = arith.constant 0 : i32
    %c0_i32_0 = arith.constant 0 : i32
    return %arg0, %c0_i32 : i32, i32
  }
}

</mosaic_0001>

<sc_bundles>
// kernel: sc_edge_gather.3.cloned.1.call-start
scs
__scs_entry_jumppad:
0x0: {  	(pc) =	sbr.rel $0x88, $3  }
0x1: {  	(tag) =	ssettag $0x0;
	lr =	simm.s32 $0x1  }
0x2: {  	[smem:$0x3F96] =	sst lr;
	_ =	strace $0xD0000000  }
0x3: {  	_ = 	snop  }
0x4: {  	_ = 	snop  }
0x5: {  	_ = 	snop  }
0x6: {  	_ = 	snop  }
0x7: {  	_ = 	snop  }
__scs_overlays_trampoline_lowered:
0x8: {  	[smem:$0x3FA5] =	sst s0  }
0x9: {  	[smem:$0x3FA6] =	sst s1  }
0xa: {  	[smem:$0x3FA7] =	sst s2  }
0xb: {  	[smem:$0x3FA8] =	sst s3  }
0xc: {  	[smem:$0x3FA9] =	sst s4  }
0xd: {  	[smem:$0x3FAA] =	sst s5  }
0xe: {  	[smem:$0x3FAB] =	sst s6  }
0xf: {  	[smem:$0x3FAC] =	sst s7  }
0x10: {  	[smem:$0x3FAD] =	sst s8  }
0x11: {  	[smem:$0x3FAE] =	sst s9;
	s0 =	simm.s32 @!p0 $0x0  }
0x12: {  	s1 =	sld [smem:$0x3F94];
	s0 =	simm.s32 @p0 $0x1  }
0x13: {  	[smem:$0x3FAF] =	sst s0;
	s0 =	simm.s32 @!p1 $0x0  }
0x14: {  	s2 =	sld [smem:$0x3F93];
	s0 =	simm.s32 @p1 $0x1  }
0x15: {  	[smem:$0x3FB0] =	sst s0;
	s0 =	simm.s32 @!p2 $0x0  }
0x16: {  	s3 =	sld [smem:$0x3FDB];
	s0 =	simm.s32 @p2 $0x1  }
0x17: {  	s4 =	simm.s32 $0x1BF5;
	[smem:$0x3FB2] =	sst s0  }
0x18: {  	s0 =	sld [smem:$0x3F95];
	_ =	swait.ge [sflag:s4], $0x0  }
0x19: {  	s7 =	sld [smem:$0x3F96]  }
0x1a: {  	s8 =	sadd.s32 $0xFFFFE003, lr  }
0x1b: {  	s9 =	sadd.s32 $0xFFFFFEF7, lr;
	s5 =	simm.s32 $0xFFFFFFFF;
	p2 =	slt.u32 s8, $0xFFFFF086  }
0x1c: {  	p1 =	slt.u32 s9, $0xF7A;
	s5 =	simm.s32 @!p2 $0x0  }
0x1d: {  	s5 =	simm.s32 @p1 $0x1;
	p0 =	seq.s32 s7, s2  }
0x1e: {  	s7 =	smul.u32 @!p0 $0xF7A, s2;
	p2 =	seq.s32 @!p0 s5, $0x0  }
0x1f: {  	s9 =	smul.u32 $0xF7A, s1;
	s8 =	simm.s32 @!p0 $0x1BF5;
	p2 =	por !p2, p0  }
0x20: {  	[sflag:s8] =	ssyncset.s32 @!p0 $0xFFFFF086;
	s6 =	sadd.s32 @!p0 s3, s7;
	s7 =	simm.s32 @!p0 $0x108  }
0x21: {  	s3 =	sadd.s32 s3, s9;
	s6 =	sadd.s32 @!p0 $0x88, s6;
	s7 =	simm.s32 @p2 $0x1082  }
0x22: {  	[simem:s7], [sflag:s8] =	dma.local @!p0 [hbm:s6], $0xF7A  }
0x23: {  	s9 =	sor.u32 $0xD0000000, s2;
	s6 =	simm.s32 $0x108;
	_ =	swait.ge @!p0 [sflag:s8], $0x0  }
0x24: {  	s3 =	sadd.s32 $0x88, s3;
	s6 =	simm.s32 @!p1 $0x1082;
	[sflag:s4] =	ssyncset.s32 $0xFFFFF086  }
0x25: {  	[simem:s6], [sflag:s4] =	dma.local [hbm:s3], $0xF7A  }
0x26: {  	[smem:$0x3F96] =	sst s1;
	(tag) =	ssettag s2;
	_ =	strace s9  }
0x27: {  	s1 =	sld [smem:$0x3FA6]  }
0x28: {  	s2 =	sld [smem:$0x3FA7]  }
0x29: {  	s4 =	sld [smem:$0x3FA9]  }
0x2a: {  	p0 =	seq.s32 s5, $0x0;
	s5 =	sld [smem:$0x3FAA]  }
0x2b: {  	s6 =	sld [smem:$0x3FAB]  }
0x2c: {  	s7 =	sld [smem:$0x3FAC]  }
0x2d: {  	s3 =	simm.s32 $0x108;
	s8 =	sld [smem:$0x3FAD]  }
0x2e: {  	s3 =	simm.s32 @!p0 $0x1082;
	s9 =	sld [smem:$0x3FAE]  }
0x2f: {  	lr =	sadd.s32 s0, s3;
	s0 =	sld [smem:$0x3FA5]  }
0x30: {  	s3 =	sld [smem:$0x3FA8]  }
0x31: {  	[smem:$0x3FB1] =	sst s10  }
0x32: {  	s10 =	sld [smem:$0x3FAF];
	_ =	sdelay $0x3  }
0x33: {  	p0 =	seq.s32 s10, $0x1;
	s10 =	sld [smem:$0x3FB1];
	_ =	sdelay $0x3  }
0x34: {  	[smem:$0x3FB1] =	sst s10  }
0x35: {  	s10 =	sld [smem:$0x3FB0];
	_ =	sdelay $0x3  }
0x36: {  	p1 =	seq.s32 s10, $0x1;
	s10 =	sld [smem:$0x3FB1];
	_ =	sdelay $0x3  }
0x37: {  	[smem:$0x3FB1] =	sst s10  }
0x38: {  	s10 =	sld [smem:$0x3FB2]  }
0x39: {  	_ = 	snop;
	(pc) =	sbr.ind lr, $3  }
0x3a: {  	_ = 	snop  }
0x3b: {  	_ = 	snop  }
0x3c: {  	p2 =	seq.s32 s10, $0x1;
	s10 =	sld [smem:$0x3FB1]  }
0x3d: {  	_ =	shalt  }
0x3e: {  	_ =	shalt  }
0x3f: {  	_ =	shalt  }
0x40: {  	_ =	shalt  }
0x41: {  	_ =	shalt  }
0x42: {  	_ =	shalt  }
0x43: {  	_ =	shalt  }
0x44: {  	_ =	shalt  }
0x45: {  	_ =	shalt  }
0x46: {  	_ =	shalt  }
0x47: {  	_ =	shalt  }
0x48: {  	_ =	shalt  }
0x49: {  	_ =	shalt  }
0x4a: {  	_ =	shalt  }
0x4b: {  	_ =	shalt  }
0x4c: {  	_ =	shalt  }
0x4d: {  	_ =	shalt  }
0x4e: {  	_ =	shalt  }
0x4f: {  	_ =	shalt  }
0x50: {  	_ =	shalt  }
0x51: {  	_ =	shalt  }
0x52: {  	_ =	shalt  }
0x53: {  	_ =	shalt  }
0x54: {  	_ =	shalt  }
0x55: {  	_ =	shalt  }
0x56: {  	_ =	shalt  }
0x57: {  	_ =	shalt  }
0x58: {  	_ =	shalt  }
0x59: {  	_ =	shalt  }
0x5a: {  	_ =	shalt  }
0x5b: {  	_ =	shalt  }
0x5c: {  	_ =	shalt  }
0x5d: {  	_ =	shalt  }
0x5e: {  	_ =	shalt  }
0x5f: {  	_ =	shalt  }
0x60: {  	_ =	shalt  }
0x61: {  	_ =	shalt  }
0x62: {  	_ =	shalt  }
0x63: {  	_ =	shalt  }
0x64: {  	_ =	shalt  }
0x65: {  	_ =	shalt  }
0x66: {  	_ =	shalt  }
0x67: {  	_ =	shalt  }
0x68: {  	_ =	shalt  }
0x69: {  	_ =	shalt  }
0x6a: {  	_ =	shalt  }
0x6b: {  	_ =	shalt  }
0x6c: {  	_ =	shalt  }
0x6d: {  	_ =	shalt  }
0x6e: {  	_ =	shalt  }
0x6f: {  	_ =	shalt  }
0x70: {  	_ =	shalt  }
0x71: {  	_ =	shalt  }
0x72: {  	_ =	shalt  }
0x73: {  	_ =	shalt  }
0x74: {  	_ =	shalt  }
0x75: {  	_ =	shalt  }
0x76: {  	_ =	shalt  }
0x77: {  	_ =	shalt  }
0x78: {  	_ =	shalt  }
0x79: {  	_ =	shalt  }
0x7a: {  	_ =	shalt  }
0x7b: {  	_ =	shalt  }
0x7c: {  	_ =	shalt  }
0x7d: {  	_ =	shalt  }
0x7e: {  	_ =	shalt  }
0x7f: {  	_ =	shalt  }
0x80: {  	_ =	shalt  }
0x81: {  	_ =	shalt  }
0x82: {  	_ =	shalt  }
0x83: {  	_ =	shalt  }
0x84: {  	_ =	shalt  }
0x85: {  	_ =	shalt  }
0x86: {  	_ =	shalt  }
0x87: {  	_ =	shalt  }
.Lfunc_end0:
.L_simem_size_0:
called_computation_lowered:
.L_overlay_start_0:
0x88: {  	s2 =	sld [smem:$0x3FD9]  }
0x89: {  	s3 =	sld [smem:$0x3FFE];
	_ =	sdelay $0x1  }
0x8a: {  	s1 =	srdreg.scid  }
0x8b: {  	s0 =	sand.u32 $0x1, s1  }
0x8c: {  	s17 =	sshll.u32 s0, $0xA;
	s2 =	sadd.s32 s3, s2  }
0x8d: {  	s2 =	sadd.s32 s2, s17  }
0x8e: {  	[smem:$0x3FBD] =	sst s2  }
0x8f: {  	_ = 	snop  }
0x90: {  	s2 =	sld [smem:$0x3FD0];
	(tm) =	ssettm $0x1  }
0x91: {  	s18 =	sld [smem:$0x3FFB];
	_ =	sdelay $0x3  }
0x92: {  	_ =	strace s18  }
0x93: {  	s3 =	sld [smem:$0x3FFC];
	_ =	sdelay $0x3  }
0x94: {  	_ =	strace s3  }
0x95: {  	s3 =	sld [smem:$0x3FFD];
	_ =	sdelay $0x3  }
0x96: {  	_ =	strace s3  }
0x97: {  	_ =	strace $0x8FFFFFFF  }
0x98: {  	s19 =	sld [smem:$0x3FDB];
	_ =	sdelay $0x1  }
0x99: {  	s4 =	simm.s32 $_scs_section_size  }
0x9a: {  	s5 =	simm.s32 $_size__tile_overlayer_lowered;
	s6 =	simm.s32 $_tile_overlayer_lowered  }
0x9b: {  	s22 =	simm.s32 $0x1BFF;
	s21 =	sshll.u32 s6, $0x1;
	s3 =	sadd.s32 s4, s19  }
0x9c: {  	s7 =	simm.s32 $0x0;
	s20 =	sshll.u32 s5, $0x1;
	s5 =	sadd.s32 s21, s3  }
0x9d: {  	[timem:s7], [sflag:s22] =	dma.local [hbm:s5], s20  }
0x9e: {  	_ =	swait.ge [sflag:s22], s20  }
0x9f: {  	s4 =	ssub.s32 $0x0, s20;
	[sflag:s22] =	ssyncset.done $0x0  }
0xa0: {  	[sflag:s22] =	ssyncadd.s32 s4;
	_ =	sdelay $0x1  }
0xa1: {  	s23 =	simm.s32 $0x1B8B  }
0xa2: {  	_ =	swait.ge [sflag:s23], $0x1  }
0xa3: {  	[sflag:s23] =	ssyncset.done $0x0  }
0xa4: {  	s25 =	simm.s32 $0x1B8E;
	s24 =	sld [smem:$0x3FFE];
	[sflag:s23] =	ssyncadd.s32 $0xFFFFFFFF  }
0xa5: {  	s26 =	simm.s32 $execute0_lowered;
	[smem:$0x3FD2] =	sst s25  }
0xa6: {  	s5 =	sshll.u32 s26, $0x1;
	_ =	strace $0x80000046;
	[dreg:$0x1] =	wrdreg $0xFFFFFFFF  }
0xa7: {  	s28 =	simm.s32 $_size_execute0_lowered;
	s3 =	sadd.s32 s3, s5;
	[dreg:$0x0] =	wrdreg $0x0  }
0xa8: {  	s5 =	sshll.u32 s28, $0x1;
	[dreg:$0x2] =	wrdreg s3  }
0xa9: {  	[dreg:$0x3] =	wrdreg s5  }
0xaa: {  	[dreg:$0x4] =	wrdreg $0xC0  }
0xab: {  	_ =	task [dreg:s7], $0x5FFFF  }
0xac: {  	[dreg:$0x1] =	wrdreg $0xFFFFFFFF  }
0xad: {  	[dreg:$0x0] =	wrdreg $0x60  }
0xae: {  	[dreg:$0x2] =	wrdreg s2  }
0xaf: {  	[dreg:$0x3] =	wrdreg s24  }
0xb0: {  	[dreg:$0x4] =	wrdreg $0x84000  }
0xb1: {  	[dreg:$0x5] =	wrdreg $0x9  }
0xb2: {  	_ =	task.clear_ibuf [dreg:s7], $0x6FFFF;
	_ =	strace $0x90000046  }
0xb3: {  	s29 =	simm.s32 $0x9;
	_ =	strace $0x80000048  }
0xb4: {  	_ =	swait.ge [sflag:s29], $0x1  }
0xb5: {  	[sflag:s29] =	ssyncadd.s32 $0xFFFFFFFF  }
0xb6: {  	_ =	strace $0x90000048  }
0xb7: {  	_ =	sfence  }
0xb8: {  	s30 =	sld [smem:$0x0];
	_ =	sdelay $0x2  }
0xb9: {  	s31 =	sshll.u32 s1, $0xD;
	s1 =	sshrl.u32 s1, $0x2  }
0xba: {  	s3 =	sand.u32 $0x4000, s31;
	s1 =	sadd.s32 s1, s30  }
0xbb: {  	s0 =	sor.u32 s3, s0;
	s1 =	sshll.u32 s1, $0x11  }
0xbc: {  	s0 =	sor.u32 s1, s0  }
0xbd: {  	s0 =	sadd.s32 $0x8F2B, s0  }
0xbe: {  	[sflag:s0] =	ssyncadd.remote.s32 $0x1  }
0xbf: {  	_ =	sfence.sel $0xFFFF  }
0xc0: {  	[dreg:$0x0] =	wrdreg $0xFFFFFFFF;
	(pc) =	sbr.abs _section_cstart, $3  }
0xc1: {  	[dreg:$0x1] =	wrdreg $0xFFFFFFFF  }
0xc2: {  	_ =	task.clear_ibuf [dreg:s7], $0x2FFFF;
	_ =	strace $0x9FFFFFFF  }
0xc3: {  	(tm) =	ssettm $0x7FFFFFFF  }
tec
execute0_lowered:
.L_overlay_start_1:
0x0: {  	(tag) =	ssettag $0x1  }
0x1: {  	s0 =	rddreg [dreg:$0x0]  }
0x2: {  	s3 =	rddreg [dreg:$0x1];
	s2 =	srdreg.scid  }
0x3: {  	s1 =	rddreg [dreg:$0x2];
	s14 =	stileid.u32;
	s28 =	simm.s32 $0x3  }
0x4: {  	s29 =	simm.s32 $0x0;
	s4 =	sand.u32 $0x1, s2;
	s2 =	simm.s32 $0x0  }
0x5: {  	s13 =	sadd.s32 $0x5D200, s3;
	s8 =	sshll.u32 s14, $0xA;
	s5 =	smul.u32 $0x28000, s4  }
0x6: {  	s9 =	sshll.u32 s14, $0x11;
	p0 =	sne.s32 s14, $0x0;
	s6 =	smul.u32 $0x4E400, s4  }
0x7: {  	[smem:$0x7FF] =	sst s2;
	s15 =	ssub.s32 $0x2, s4;
	s4 =	smul.u32 $0x2720000, s4  }
0x8: {  	s14 =	sshrl.u32 @!p0 s1, $0x3;
	_ =	strace $0x80000047;
	s7 =	sshrl.u32 s15, $0x1  }
0x9: {  	s5 =	sadd.s32 s5, s3;
	s7 =	ssub.s32 s15, s7;
	s17 =	sadd.s32 s8, s6  }
0xa: {  	s12 =	sadd.s32 s9, s4;
	s16 =	sadd.s32 $0xD200, s5;
	s4 =	smax.u32 s7, $0x1  }
0xb: {  	s5 =	sshrl.u32 s17, $0x3;
	s18 =	sor.u32 $0x1C000, s12;
	s20 =	sor.u32 $0x18000, s12  }
0xc: {  	s22 =	sor.u32 $0x14000, s12;
	s9 =	sor.u32 $0x10000, s12;
	s10 =	sor.u32 $0xC000, s12  }
0xd: {  	s11 =	sor.u32 $0x8000, s12;
	s15 =	sor.u32 $0x4000, s12;
	s31 =	sshrl.u32 s12, $0x3  }
0xe: {  	s17 =	simm.s32 $0x400;
	[dreg:$0x4] =	wrdreg s16;
	s5 =	sadd.s32 s5, s0  }
0xf: {  	s19 =	sshrl.u32 s18, $0x3;
	s21 =	sshrl.u32 s20, $0x3;
	s23 =	sshrl.u32 s22, $0x3  }
0x10: {  	s24 =	sshrl.u32 s9, $0x3;
	s25 =	sshrl.u32 s10, $0x3;
	s26 =	sshrl.u32 s11, $0x3  }
0x11: {  	s30 =	sshrl.u32 s15, $0x3;
	s15 =	simm.s32 $0x4;
	s16 =	simm.s32 $0x80  }
0x12: {  	s18 =	simm.s32 $0x4400;
	s20 =	simm.s32 $0x100;
	s22 =	simm.s32 $0x180  }
.Ltmp0:
0x13: {  	s6 =	sadd.s32 s19, s13;
	s7 =	sadd.s32 s21, s13;
	(pc) =	sbr.rel .LBB2_1-.Ltmp0, $4  }
0x14: {  	s8 =	sadd.s32 s23, s13;
	s9 =	sadd.s32 s24, s13;
	s10 =	sadd.s32 s25, s13  }
0x15: {  	s11 =	sadd.s32 s26, s13;
	s12 =	sadd.s32 s30, s13;
	s13 =	sadd.s32 s31, s13  }
0x16: {  	s19 =	simm.s32 $0x1;
	s21 =	simm.s32 $0x2;
	s23 =	simm.s32 $0x200  }
0x17: {  	s24 =	simm.s32 $0x280;
	s25 =	simm.s32 $0x300;
	s26 =	simm.s32 $0x380  }
.LBB2_5:
0x18: {  	s29 =	sadd.s32 $0x1, s29  }
0x19: {  	p1 =	sne.s32 s29, s4  }
.Ltmp1:
0x1a: {  	_ = 	snop;
	(pc) =	sbr.rel @!p1 .LBB2_6-.Ltmp1, $1  }
0x1b: {  	_ =	sdelay $0x3  }
.LBB2_1:
0x1c: {  	s0 =	simm.s32 @!p0 $0x1C03;
	s3 =	rddreg [dreg:$0x4]  }
0x1d: {  	[spmem:s14], [sflag:s0] =	dma.local @!p0 [hbm:s3], $0x28000  }
0x1e: {  	s0 =	simm.s32 @!p0 $0x3  }
.Ltmp2:
0x1f: {  	_ =	swait.ge @!p0 [sflag:s0], $0x28000;
	(pc) =	sbr.rel .LBB2_2-.Ltmp2, $4  }
0x20: {  	[sflag:s0] =	ssyncset.done @!p0 $0x0  }
0x21: {  	[sflag:s0] =	ssyncadd.s32 @!p0 $0xFFFD8000  }
0x22: {  	[bflag:$0x0] =	sbarrier.arrive $0xFFFF  }
0x23: {  	s30 =	stileid.u32;
	s31 =	smov.u32 s5;
	s0 =	simm.s32 $0x0  }
.LBB2_4:
0x24: {  	s0 =	sadd.s32 $0x40000, s0  }
0x25: {  	p1 =	sne.s32 s0, $0x500000  }
.Ltmp3:
0x26: {  	_ = 	snop;
	(pc) =	sbr.rel @!p1 .LBB2_5-.Ltmp3, $2  }
0x27: {  	_ =	sdelay $0x2  }
0x28: {  	s31 =	sadd.s32 $0x800, s31;
	s30 =	sadd.s32 $0x10, s30  }
.LBB2_2:
0x29: {  	p1 =	sgt.u32 s30, $0x138  }
.Ltmp4:
0x2a: {  	_ = 	snop;
	(pc) =	sbr.rel @p1 .LBB2_4-.Ltmp4, $1  }
0x2b: {  	_ =	sdelay $0x3  }
0x2c: {  	[tilespmem:s2], [sflag:$0x4] =	stream.linear.gather [hbm4b:s31+s2], $0x400, $0x38;
	[tilespmem:$0x1C400] =	vst v63  }
0x2d: {  	_ =	swait.ge [sflag:s15], $0x400  }
0x2e: {  	[sflag:s15] =	ssyncset.done $0x0  }
0x2f: {  	[sflag:s15] =	ssyncadd.s32 $0xFFFFFC00  }
0x30: {  	[tilespmem:s17], [sflag:$0x1] =	stream.indirect.gather [spmem:s1], $0x80, s2, s16, $0xb8;
	[tilespmem:$0x1C400] =	vst v63  }
0x31: {  	_ = 	snop  }
0x32: {  	[tilespmem:s18], [sflag:$0x2] =	stream.indirect.gather [spmem:s1], $0x80, s16, s16, $0xb8;
	[tilespmem:$0x1C400] =	vst v63  }
0x33: {  	_ =	swait.ge [sflag:s19], $0x4000  }
0x34: {  	[sflag:s19] =	ssyncset.done $0x0  }
0x35: {  	s3 =	sadd.s32 s0, s13;
	[sflag:s19] =	ssyncadd.s32 $0xFFFFC000  }
0x36: {  	[hbm4b:s3+s2] =	stream.linear.scatter [tilespmem:s17], [sflag:$0x4], $0x4000, $0x38;
	[tilespmem:$0x1C400] =	vst v63  }
0x37: {  	_ =	swait.ge [sflag:s15], $0x4000  }
0x38: {  	[sflag:s15] =	ssyncset.done $0x0  }
0x39: {  	[sflag:s15] =	ssyncadd.s32 $0xFFFFC000  }
0x3a: {  	[tilespmem:s17], [sflag:$0x1] =	stream.indirect.gather [spmem:s1], $0x80, s20, s16, $0xb8;
	[tilespmem:$0x1C400] =	vst v63  }
0x3b: {  	_ =	swait.ge [sflag:s21], $0x4000  }
0x3c: {  	[sflag:s21] =	ssyncset.done $0x0  }
0x3d: {  	s3 =	sadd.s32 s0, s12;
	[sflag:s21] =	ssyncadd.s32 $0xFFFFC000  }
0x3e: {  	[hbm4b:s3+s2] =	stream.linear.scatter [tilespmem:s18], [sflag:$0x4], $0x4000, $0x38;
	[tilespmem:$0x1C400] =	vst v63  }
0x3f: {  	_ =	swait.ge [sflag:s15], $0x4000  }
0x40: {  	[sflag:s15] =	ssyncset.done $0x0  }
0x41: {  	[sflag:s15] =	ssyncadd.s32 $0xFFFFC000  }
0x42: {  	[tilespmem:s18], [sflag:$0x2] =	stream.indirect.gather [spmem:s1], $0x80, s22, s16, $0xb8;
	[tilespmem:$0x1C400] =	vst v63  }
0x43: {  	_ =	swait.ge [sflag:s19], $0x4000  }
0x44: {  	[sflag:s19] =	ssyncset.done $0x0  }
0x45: {  	s3 =	sadd.s32 s0, s11;
	[sflag:s19] =	ssyncadd.s32 $0xFFFFC000  }
0x46: {  	[hbm4b:s3+s2] =	stream.linear.scatter [tilespmem:s17], [sflag:$0x4], $0x4000, $0x38;
	[tilespmem:$0x1C400] =	vst v63  }
0x47: {  	_ =	swait.ge [sflag:s15], $0x4000  }
0x48: {  	[sflag:s15] =	ssyncset.done $0x0  }
0x49: {  	[sflag:s15] =	ssyncadd.s32 $0xFFFFC000  }
0x4a: {  	[tilespmem:s17], [sflag:$0x1] =	stream.indirect.gather [spmem:s1], $0x80, s23, s16, $0xb8;
	[tilespmem:$0x1C400] =	vst v63  }
0x4b: {  	_ =	swait.ge [sflag:s21], $0x4000  }
0x4c: {  	[sflag:s21] =	ssyncset.done $0x0  }
0x4d: {  	s3 =	sadd.s32 s0, s10;
	[sflag:s21] =	ssyncadd.s32 $0xFFFFC000  }
0x4e: {  	[hbm4b:s3+s2] =	stream.linear.scatter [tilespmem:s18], [sflag:$0x4], $0x4000, $0x38;
	[tilespmem:$0x1C400] =	vst v63  }
0x4f: {  	_ =	swait.ge [sflag:s15], $0x4000  }
0x50: {  	[sflag:s15] =	ssyncset.done $0x0  }
0x51: {  	[sflag:s15] =	ssyncadd.s32 $0xFFFFC000  }
0x52: {  	[tilespmem:s18], [sflag:$0x2] =	stream.indirect.gather [spmem:s1], $0x80, s24, s16, $0xb8;
	[tilespmem:$0x1C400] =	vst v63  }
0x53: {  	_ =	swait.ge [sflag:s19], $0x4000  }
0x54: {  	[sflag:s19] =	ssyncset.done $0x0  }
0x55: {  	s3 =	sadd.s32 s0, s9;
	[sflag:s19] =	ssyncadd.s32 $0xFFFFC000  }
0x56: {  	[hbm4b:s3+s2] =	stream.linear.scatter [tilespmem:s17], [sflag:$0x4], $0x4000, $0x38;
	[tilespmem:$0x1C400] =	vst v63  }
0x57: {  	_ =	swait.ge [sflag:s15], $0x4000  }
0x58: {  	[sflag:s15] =	ssyncset.done $0x0  }
0x59: {  	[sflag:s15] =	ssyncadd.s32 $0xFFFFC000  }
0x5a: {  	[tilespmem:s17], [sflag:$0x1] =	stream.indirect.gather [spmem:s1], $0x80, s25, s16, $0xb8;
	[tilespmem:$0x1C400] =	vst v63  }
0x5b: {  	_ =	swait.ge [sflag:s21], $0x4000  }
0x5c: {  	[sflag:s21] =	ssyncset.done $0x0  }
0x5d: {  	s3 =	sadd.s32 s0, s8;
	[sflag:s21] =	ssyncadd.s32 $0xFFFFC000  }
0x5e: {  	[hbm4b:s3+s2] =	stream.linear.scatter [tilespmem:s18], [sflag:$0x4], $0x4000, $0x38;
	[tilespmem:$0x1C400] =	vst v63  }
0x5f: {  	_ =	swait.ge [sflag:s15], $0x4000  }
0x60: {  	[sflag:s15] =	ssyncset.done $0x0  }
0x61: {  	[sflag:s15] =	ssyncadd.s32 $0xFFFFC000  }
0x62: {  	[tilespmem:s18], [sflag:$0x2] =	stream.indirect.gather [spmem:s1], $0x80, s26, s16, $0xb8;
	[tilespmem:$0x1C400] =	vst v63  }
0x63: {  	_ =	swait.ge [sflag:s19], $0x4000  }
0x64: {  	[sflag:s19] =	ssyncset.done $0x0  }
0x65: {  	s3 =	sadd.s32 s0, s7;
	[sflag:s19] =	ssyncadd.s32 $0xFFFFC000  }
0x66: {  	[hbm4b:s3+s2] =	stream.linear.scatter [tilespmem:s17], [sflag:$0x4], $0x4000, $0x38;
	[tilespmem:$0x1C400] =	vst v63  }
0x67: {  	_ =	swait.ge [sflag:s15], $0x4000  }
0x68: {  	[sflag:s15] =	ssyncset.done $0x0  }
0x69: {  	[sflag:s15] =	ssyncadd.s32 $0xFFFFC000  }
0x6a: {  	_ =	swait.ge [sflag:s21], $0x4000  }
0x6b: {  	[sflag:s21] =	ssyncset.done $0x0  }
.Ltmp5:
0x6c: {  	s3 =	sadd.s32 s0, s6;
	[sflag:s21] =	ssyncadd.s32 $0xFFFFC000;
	(pc) =	sbr.rel .LBB2_4-.Ltmp5, $4  }
0x6d: {  	[hbm4b:s3+s2] =	stream.linear.scatter [tilespmem:s18], [sflag:$0x3], $0x4000, $0x38;
	[tilespmem:$0x1C400] =	vst v63  }
0x6e: {  	_ =	swait.ge [sflag:s28], $0x4000  }
0x6f: {  	[sflag:s28] =	ssyncset.done $0x0  }
0x70: {  	[sflag:s28] =	ssyncadd.s32 $0xFFFFC000  }
.LBB2_6:
0x71: {  	_ =	sfence.sel $0x180000  }
0x72: {  	[bflag:$0x0] =	sbarrier.arrive $0xFFFF  }
0x73: {  	_ =	strace $0x90000047  }
0x74: {  	[bflag:$0x2] =	sbarrier.arrive $0xFFFF  }
0x75: {  	s0 =	rddreg [dreg:$0x3]  }
0x76: {  	s0 =	sadd.s32 @!p0 $0x100000, s0  }
0x77: {  	[sflag:s0] =	ssyncadd.tile.s32 @!p0 $0x1;
	_ =	shalt  }
.Lfunc_end2:
_tile_overlayer_lowered:
.L_overlay_start_2:
0x78: {  	(tag) =	ssettag $0x2  }
0x79: {  	s0 =	rddreg [dreg:$0x0];
	s2 =	stileid.u32  }
0x7a: {  	s1 =	rddreg [dreg:$0x1];
	p0 =	sne.s32 s2, $0x0  }
0x7b: {  	s3 =	rddreg [dreg:$0x2];
	[bflag:$0x3] =	sbarrier.arrive $0xFFFF;
	s2 =	simm.s32 @!p0 $0x1C03  }
0x7c: {  	[timem:s3], [sflag:s2] =	dma.local @!p0 [hbm:s0], s1  }
0x7d: {  	s0 =	simm.s32 @!p0 $0x3  }
0x7e: {  	_ =	swait.ge @!p0 [sflag:s0], s1  }
0x7f: {  	s1 =	ssub.s32 @!p0 $0x0, s1;
	[sflag:s0] =	ssyncset.done @!p0 $0x0  }
0x80: {  	[sflag:s0] =	ssyncadd.s32 @!p0 s1  }
0x81: {  	[bflag:$0x3] =	sbarrier.arrive $0xFFFF  }
0x82: {  	_ =	shalt  }

// kernel: sc_segment_sum.3.cloned.1.call-start
scs
__scs_entry_jumppad:
0x0: {  	(pc) =	sbr.rel $0x88, $3  }
0x1: {  	(tag) =	ssettag $0x0;
	lr =	simm.s32 $0x1  }
0x2: {  	[smem:$0x3F96] =	sst lr;
	_ =	strace $0xD0000000  }
0x3: {  	_ = 	snop  }
0x4: {  	_ = 	snop  }
0x5: {  	_ = 	snop  }
0x6: {  	_ = 	snop  }
0x7: {  	_ = 	snop  }
__scs_overlays_trampoline_lowered:
0x8: {  	[smem:$0x3FA5] =	sst s0  }
0x9: {  	[smem:$0x3FA6] =	sst s1  }
0xa: {  	[smem:$0x3FA7] =	sst s2  }
0xb: {  	[smem:$0x3FA8] =	sst s3  }
0xc: {  	[smem:$0x3FA9] =	sst s4  }
0xd: {  	[smem:$0x3FAA] =	sst s5  }
0xe: {  	[smem:$0x3FAB] =	sst s6  }
0xf: {  	[smem:$0x3FAC] =	sst s7  }
0x10: {  	[smem:$0x3FAD] =	sst s8  }
0x11: {  	[smem:$0x3FAE] =	sst s9;
	s0 =	simm.s32 @!p0 $0x0  }
0x12: {  	s1 =	sld [smem:$0x3F94];
	s0 =	simm.s32 @p0 $0x1  }
0x13: {  	[smem:$0x3FAF] =	sst s0;
	s0 =	simm.s32 @!p1 $0x0  }
0x14: {  	s2 =	sld [smem:$0x3F93];
	s0 =	simm.s32 @p1 $0x1  }
0x15: {  	[smem:$0x3FB0] =	sst s0;
	s0 =	simm.s32 @!p2 $0x0  }
0x16: {  	s3 =	sld [smem:$0x3FDB];
	s0 =	simm.s32 @p2 $0x1  }
0x17: {  	s4 =	simm.s32 $0x1BF5;
	[smem:$0x3FB2] =	sst s0  }
0x18: {  	s0 =	sld [smem:$0x3F95];
	_ =	swait.ge [sflag:s4], $0x0  }
0x19: {  	s7 =	sld [smem:$0x3F96]  }
0x1a: {  	s8 =	sadd.s32 $0xFFFFE003, lr  }
0x1b: {  	s9 =	sadd.s32 $0xFFFFFEF7, lr;
	s5 =	simm.s32 $0xFFFFFFFF;
	p2 =	slt.u32 s8, $0xFFFFF086  }
0x1c: {  	p1 =	slt.u32 s9, $0xF7A;
	s5 =	simm.s32 @!p2 $0x0  }
0x1d: {  	s5 =	simm.s32 @p1 $0x1;
	p0 =	seq.s32 s7, s2  }
0x1e: {  	s7 =	smul.u32 @!p0 $0xF7A, s2;
	p2 =	seq.s32 @!p0 s5, $0x0  }
0x1f: {  	s9 =	smul.u32 $0xF7A, s1;
	s8 =	simm.s32 @!p0 $0x1BF5;
	p2 =	por !p2, p0  }
0x20: {  	[sflag:s8] =	ssyncset.s32 @!p0 $0xFFFFF086;
	s6 =	sadd.s32 @!p0 s3, s7;
	s7 =	simm.s32 @!p0 $0x108  }
0x21: {  	s3 =	sadd.s32 s3, s9;
	s6 =	sadd.s32 @!p0 $0x88, s6;
	s7 =	simm.s32 @p2 $0x1082  }
0x22: {  	[simem:s7], [sflag:s8] =	dma.local @!p0 [hbm:s6], $0xF7A  }
0x23: {  	s9 =	sor.u32 $0xD0000000, s2;
	s6 =	simm.s32 $0x108;
	_ =	swait.ge @!p0 [sflag:s8], $0x0  }
0x24: {  	s3 =	sadd.s32 $0x88, s3;
	s6 =	simm.s32 @!p1 $0x1082;
	[sflag:s4] =	ssyncset.s32 $0xFFFFF086  }
0x25: {  	[simem:s6], [sflag:s4] =	dma.local [hbm:s3], $0xF7A  }
0x26: {  	[smem:$0x3F96] =	sst s1;
	(tag) =	ssettag s2;
	_ =	strace s9  }
0x27: {  	s1 =	sld [smem:$0x3FA6]  }
0x28: {  	s2 =	sld [smem:$0x3FA7]  }
0x29: {  	s4 =	sld [smem:$0x3FA9]  }
0x2a: {  	p0 =	seq.s32 s5, $0x0;
	s5 =	sld [smem:$0x3FAA]  }
0x2b: {  	s6 =	sld [smem:$0x3FAB]  }
0x2c: {  	s7 =	sld [smem:$0x3FAC]  }
0x2d: {  	s3 =	simm.s32 $0x108;
	s8 =	sld [smem:$0x3FAD]  }
0x2e: {  	s3 =	simm.s32 @!p0 $0x1082;
	s9 =	sld [smem:$0x3FAE]  }
0x2f: {  	lr =	sadd.s32 s0, s3;
	s0 =	sld [smem:$0x3FA5]  }
0x30: {  	s3 =	sld [smem:$0x3FA8]  }
0x31: {  	[smem:$0x3FB1] =	sst s10  }
0x32: {  	s10 =	sld [smem:$0x3FAF];
	_ =	sdelay $0x3  }
0x33: {  	p0 =	seq.s32 s10, $0x1;
	s10 =	sld [smem:$0x3FB1];
	_ =	sdelay $0x3  }
0x34: {  	[smem:$0x3FB1] =	sst s10  }
0x35: {  	s10 =	sld [smem:$0x3FB0];
	_ =	sdelay $0x3  }
0x36: {  	p1 =	seq.s32 s10, $0x1;
	s10 =	sld [smem:$0x3FB1];
	_ =	sdelay $0x3  }
0x37: {  	[smem:$0x3FB1] =	sst s10  }
0x38: {  	s10 =	sld [smem:$0x3FB2]  }
0x39: {  	_ = 	snop;
	(pc) =	sbr.ind lr, $3  }
0x3a: {  	_ = 	snop  }
0x3b: {  	_ = 	snop  }
0x3c: {  	p2 =	seq.s32 s10, $0x1;
	s10 =	sld [smem:$0x3FB1]  }
0x3d: {  	_ =	shalt  }
0x3e: {  	_ =	shalt  }
0x3f: {  	_ =	shalt  }
0x40: {  	_ =	shalt  }
0x41: {  	_ =	shalt  }
0x42: {  	_ =	shalt  }
0x43: {  	_ =	shalt  }
0x44: {  	_ =	shalt  }
0x45: {  	_ =	shalt  }
0x46: {  	_ =	shalt  }
0x47: {  	_ =	shalt  }
0x48: {  	_ =	shalt  }
0x49: {  	_ =	shalt  }
0x4a: {  	_ =	shalt  }
0x4b: {  	_ =	shalt  }
0x4c: {  	_ =	shalt  }
0x4d: {  	_ =	shalt  }
0x4e: {  	_ =	shalt  }
0x4f: {  	_ =	shalt  }
0x50: {  	_ =	shalt  }
0x51: {  	_ =	shalt  }
0x52: {  	_ =	shalt  }
0x53: {  	_ =	shalt  }
0x54: {  	_ =	shalt  }
0x55: {  	_ =	shalt  }
0x56: {  	_ =	shalt  }
0x57: {  	_ =	shalt  }
0x58: {  	_ =	shalt  }
0x59: {  	_ =	shalt  }
0x5a: {  	_ =	shalt  }
0x5b: {  	_ =	shalt  }
0x5c: {  	_ =	shalt  }
0x5d: {  	_ =	shalt  }
0x5e: {  	_ =	shalt  }
0x5f: {  	_ =	shalt  }
0x60: {  	_ =	shalt  }
0x61: {  	_ =	shalt  }
0x62: {  	_ =	shalt  }
0x63: {  	_ =	shalt  }
0x64: {  	_ =	shalt  }
0x65: {  	_ =	shalt  }
0x66: {  	_ =	shalt  }
0x67: {  	_ =	shalt  }
0x68: {  	_ =	shalt  }
0x69: {  	_ =	shalt  }
0x6a: {  	_ =	shalt  }
0x6b: {  	_ =	shalt  }
0x6c: {  	_ =	shalt  }
0x6d: {  	_ =	shalt  }
0x6e: {  	_ =	shalt  }
0x6f: {  	_ =	shalt  }
0x70: {  	_ =	shalt  }
0x71: {  	_ =	shalt  }
0x72: {  	_ =	shalt  }
0x73: {  	_ =	shalt  }
0x74: {  	_ =	shalt  }
0x75: {  	_ =	shalt  }
0x76: {  	_ =	shalt  }
0x77: {  	_ =	shalt  }
0x78: {  	_ =	shalt  }
0x79: {  	_ =	shalt  }
0x7a: {  	_ =	shalt  }
0x7b: {  	_ =	shalt  }
0x7c: {  	_ =	shalt  }
0x7d: {  	_ =	shalt  }
0x7e: {  	_ =	shalt  }
0x7f: {  	_ =	shalt  }
0x80: {  	_ =	shalt  }
0x81: {  	_ =	shalt  }
0x82: {  	_ =	shalt  }
0x83: {  	_ =	shalt  }
0x84: {  	_ =	shalt  }
0x85: {  	_ =	shalt  }
0x86: {  	_ =	shalt  }
0x87: {  	_ =	shalt  }
.Lfunc_end0:
.L_simem_size_0:
called_computation.1_lowered:
.L_overlay_start_0:
0x88: {  	s2 =	sld [smem:$0x3FD9]  }
0x89: {  	s3 =	sld [smem:$0x3FFE];
	_ =	sdelay $0x1  }
0x8a: {  	s1 =	srdreg.scid  }
0x8b: {  	s0 =	sand.u32 $0x1, s1  }
0x8c: {  	s16 =	sshll.u32 s0, $0xA;
	s2 =	sadd.s32 s3, s2  }
0x8d: {  	s2 =	sadd.s32 s2, s16  }
0x8e: {  	[smem:$0x3FBD] =	sst s2  }
0x8f: {  	_ = 	snop  }
0x90: {  	(tm) =	ssettm $0x1  }
0x91: {  	s17 =	sld [smem:$0x3FFB];
	_ =	sdelay $0x3  }
0x92: {  	_ =	strace s17  }
0x93: {  	s2 =	sld [smem:$0x3FFC];
	_ =	sdelay $0x3  }
0x94: {  	_ =	strace s2  }
0x95: {  	s2 =	sld [smem:$0x3FFD];
	_ =	sdelay $0x3  }
0x96: {  	_ =	strace s2  }
0x97: {  	_ =	strace $0x8FFFFFFF  }
0x98: {  	s18 =	sld [smem:$0x3FDB];
	_ =	sdelay $0x1  }
0x99: {  	s19 =	simm.s32 $_scs_section_size  }
0x9a: {  	s4 =	simm.s32 $_size__tile_overlayer_lowered;
	s5 =	simm.s32 $_tile_overlayer_lowered  }
0x9b: {  	s22 =	simm.s32 $0x1BFF;
	s21 =	sshll.u32 s5, $0x1;
	s2 =	sadd.s32 s19, s18  }
0x9c: {  	s6 =	simm.s32 $0x0;
	s20 =	sshll.u32 s4, $0x1;
	s4 =	sadd.s32 s21, s2  }
0x9d: {  	[timem:s6], [sflag:s22] =	dma.local [hbm:s4], s20  }
0x9e: {  	_ =	swait.ge [sflag:s22], s20  }
0x9f: {  	s3 =	ssub.s32 $0x0, s20;
	[sflag:s22] =	ssyncset.done $0x0  }
0xa0: {  	[sflag:s22] =	ssyncadd.s32 s3;
	_ =	sdelay $0x1  }
0xa1: {  	s23 =	simm.s32 $0x1B8B  }
0xa2: {  	_ =	swait.ge [sflag:s23], $0x1  }
0xa3: {  	[sflag:s23] =	ssyncset.done $0x0  }
0xa4: {  	s25 =	simm.s32 $0x1B8E;
	s24 =	sld [smem:$0x3FFE];
	[sflag:s23] =	ssyncadd.s32 $0xFFFFFFFF  }
0xa5: {  	s26 =	simm.s32 $execute0_lowered;
	[smem:$0x3FD2] =	sst s25  }
0xa6: {  	s4 =	sshll.u32 s26, $0x1;
	_ =	strace $0x80000049;
	[dreg:$0x1] =	wrdreg $0xFFFFFFFF  }
0xa7: {  	s28 =	simm.s32 $_size_execute0_lowered;
	s2 =	sadd.s32 s2, s4;
	[dreg:$0x0] =	wrdreg $0x0  }
0xa8: {  	s4 =	sshll.u32 s28, $0x1;
	[dreg:$0x2] =	wrdreg s2  }
0xa9: {  	[dreg:$0x3] =	wrdreg s4  }
0xaa: {  	[dreg:$0x4] =	wrdreg $0xC0  }
0xab: {  	_ =	task [dreg:s6], $0x5FFFF  }
0xac: {  	[dreg:$0x1] =	wrdreg $0xFFFFFFFF  }
0xad: {  	[dreg:$0x0] =	wrdreg $0x60  }
0xae: {  	[dreg:$0x2] =	wrdreg s24  }
0xaf: {  	[dreg:$0x3] =	wrdreg $0x84000  }
0xb0: {  	[dreg:$0x4] =	wrdreg $0x9  }
0xb1: {  	_ =	task.clear_ibuf [dreg:s6], $0x5FFFF;
	_ =	strace $0x90000049  }
0xb2: {  	s29 =	simm.s32 $0x9;
	_ =	strace $0x8000004B  }
0xb3: {  	_ =	swait.ge [sflag:s29], $0x1  }
0xb4: {  	[sflag:s29] =	ssyncadd.s32 $0xFFFFFFFF  }
0xb5: {  	_ =	strace $0x9000004B  }
0xb6: {  	_ =	sfence  }
0xb7: {  	s30 =	sld [smem:$0x0];
	_ =	sdelay $0x2  }
0xb8: {  	s31 =	sshll.u32 s1, $0xD;
	s1 =	sshrl.u32 s1, $0x2  }
0xb9: {  	s3 =	sand.u32 $0x4000, s31;
	s1 =	sadd.s32 s1, s30  }
0xba: {  	s0 =	sor.u32 s3, s0;
	s1 =	sshll.u32 s1, $0x11  }
0xbb: {  	s0 =	sor.u32 s1, s0  }
0xbc: {  	s0 =	sadd.s32 $0x8F2B, s0  }
0xbd: {  	[sflag:s0] =	ssyncadd.remote.s32 $0x1  }
0xbe: {  	_ =	sfence.sel $0xFFFF  }
0xbf: {  	[dreg:$0x0] =	wrdreg $0xFFFFFFFF;
	(pc) =	sbr.abs _section_cstart, $3  }
0xc0: {  	[dreg:$0x1] =	wrdreg $0xFFFFFFFF  }
0xc1: {  	_ =	task.clear_ibuf [dreg:s6], $0x2FFFF;
	_ =	strace $0x9FFFFFFF  }
0xc2: {  	(tm) =	ssettm $0x7FFFFFFF  }
0xc3: {  	_ =	shalt  }
tec
execute0_lowered:
.L_overlay_start_1:
0x0: {  	(tag) =	ssettag $0x1  }
0x1: {  	s3 =	rddreg [dreg:$0x0]  }
0x2: {  	s1 =	rddreg [dreg:$0x1];
	s2 =	simm.s32 $0x0  }
0x3: {  	s21 =	stileid.u32;
	s0 =	srdreg.scid;
	s28 =	simm.s32 $0x4400  }
0x4: {  	s29 =	simm.s32 $0x1;
	s30 =	simm.s32 $0x80;
	s31 =	simm.s32 $0x2  }
0x5: {  	[smem:$0x7FF] =	sst s2;
	s0 =	sand.u32 $0x1, s0;
	s7 =	smul.u32 $0x2800, s21  }
0x6: {  	s4 =	sshll.u32 s21, $0x8;
	s8 =	sor.u32 $0x10, s21;
	s6 =	smul.u32 $0x138800, s0  }
0x7: {  	s5 =	sshll.u32 s21, $0xF;
	s14 =	sor.u32 $0x20, s21;
	s11 =	smul.u32 $0x2800, s8  }
0x8: {  	s9 =	sadd.s32 $0x519200, s3;
	s15 =	sor.u32 $0x40, s21;
	s13 =	smul.u32 $0x2800, s14  }
0x9: {  	s16 =	sor.u32 $0x50, s21;
	s17 =	sor.u32 $0x60, s21;
	s25 =	smul.u32 $0x2800, s15  }
0xa: {  	s19 =	sor.u32 $0x70, s21;
	p0 =	sne.s32 s21, $0x0;
	s26 =	smul.u32 $0x2800, s16  }
0xb: {  	_ =	strace $0x8000004A;
	s4 =	sadd.s32 s4, s3;
	s18 =	smul.u32 $0x2800, s17  }
0xc: {  	s5 =	sadd.s32 s5, s3;
	s10 =	ssub.s32 $0x2, s0;
	s20 =	smul.u32 $0x2800, s19  }
0xd: {  	s3 =	sadd.s32 $0x4F1200, s3;
	p1 =	sgt.u32 s19, $0x7C;
	s12 =	sshrl.u32 s10, $0x1  }
0xe: {  	[dreg:$0xb] =	wrdreg s3;
	s7 =	sadd.s32 s6, s7;
	s11 =	sadd.s32 s6, s11  }
0xf: {  	s10 =	ssub.s32 s10, s12;
	s23 =	sadd.s32 s6, s13;
	s13 =	sadd.s32 s6, s26  }
0x10: {  	s18 =	sadd.s32 s6, s18;
	s26 =	sshll.u32 s21, $0x1;
	s7 =	sshrl.u32 s7, $0x3  }
0x11: {  	s22 =	sshrl.u32 s11, $0x3;
	s11 =	sor.u32 $0x30, s21;
	s7 =	sadd.s32 s9, s7  }
0x12: {  	s24 =	smul.u32 $0x2800, s11;
	[dreg:$0x3] =	wrdreg s7;
	s7 =	sadd.s32 s9, s22  }
0x13: {  	s22 =	sshll.u32 s0, $0x7;
	[dreg:$0x4] =	wrdreg s7;
	s7 =	sshrl.u32 s23, $0x3  }
0x14: {  	s12 =	sadd.s32 s6, s24;
	s23 =	smul.u32 $0xA000, s21;
	s4 =	sadd.s32 s22, s4  }
0x15: {  	s24 =	sshll.u32 s0, $0xE;
	s22 =	smul.u32 $0xA000, s17;
	s0 =	sor.u32 s0, s26  }
0x16: {  	s17 =	simm.s32 $0x4;
	s7 =	sadd.s32 s9, s7;
	s12 =	sshrl.u32 s12, $0x3  }
0x17: {  	s5 =	sadd.s32 s24, s5;
	[dreg:$0xd] =	wrdreg s0;
	s24 =	smul.u32 $0xA000, s19  }
0x18: {  	[dreg:$0x5] =	wrdreg s7;
	s7 =	sadd.s32 s6, s25;
	s12 =	sadd.s32 s9, s12  }
0x19: {  	s6 =	sadd.s32 s6, s20;
	s20 =	sshrl.u32 s18, $0x3;
	s25 =	smul.u32 $0xA000, s8  }
0x1a: {  	s18 =	smul.u32 $0xA000, s15;
	s7 =	sshrl.u32 s7, $0x3;
	[dreg:$0x6] =	wrdreg s12  }
0x1b: {  	s6 =	sshrl.u32 s6, $0x3;
	s12 =	smax.u32 s10, $0x1;
	s0 =	sshrl.u32 s24, $0x2  }
0x1c: {  	s7 =	sadd.s32 s9, s7;
	s6 =	sadd.s32 s9, s6;
	[dreg:$0xc] =	wrdreg s12  }
0x1d: {  	s3 =	sshrl.u32 s25, $0x2;
	s12 =	sshrl.u32 s22, $0x2;
	s0 =	sadd.s32 s0, s1  }
0x1e: {  	[dreg:$0x7] =	wrdreg s7;
	s7 =	sshrl.u32 s13, $0x3;
	s13 =	smul.u32 $0xA000, s14  }
0x1f: {  	[dreg:$0xa] =	wrdreg s6;
	s14 =	smul.u32 $0xA000, s11;
	s3 =	sadd.s32 s3, s1  }
0x20: {  	s12 =	sadd.s32 s12, s1;
	s6 =	simm.s32 $0x300;
	s7 =	sadd.s32 s9, s7  }
0x21: {  	s19 =	sshrl.u32 s3, $0x3;
	s24 =	sshrl.u32 s12, $0x3;
	s3 =	simm.s32 $0x180  }
0x22: {  	[dreg:$0x8] =	wrdreg s7;
	s7 =	sadd.s32 s9, s20;
	s8 =	sshrl.u32 s13, $0x2  }
0x23: {  	s9 =	sshrl.u32 s14, $0x2;
	s20 =	smul.u32 $0xA000, s16;
	s16 =	sadd.s32 $0xD200, s5  }
0x24: {  	s5 =	simm.s32 $0x280;
	[dreg:$0x9] =	wrdreg s7;
	s7 =	sshrl.u32 s23, $0x2  }
0x25: {  	s8 =	sadd.s32 s8, s1;
	s9 =	sadd.s32 s9, s1;
	s23 =	sshrl.u32 s18, $0x2  }
0x26: {  	s7 =	sadd.s32 s7, s1;
	s25 =	sadd.s32 s23, s1;
	s11 =	sshrl.u32 s20, $0x2  }
.Ltmp0:
0x27: {  	s20 =	sshrl.u32 s8, $0x3;
	s21 =	sshrl.u32 s9, $0x3;
	(pc) =	sbr.rel .LBB2_1-.Ltmp0, $4  }
0x28: {  	s8 =	simm.s32 $0x3;
	s9 =	simm.s32 $0x0;
	s26 =	sadd.s32 s11, s1  }
0x29: {  	s11 =	sadd.s32 $0x3400, s4;
	s18 =	sshrl.u32 s7, $0x3;
	s22 =	sshrl.u32 s25, $0x3  }
0x2a: {  	s25 =	sshrl.u32 @!p1 s0, $0x3;
	s0 =	simm.s32 $0x100;
	s4 =	simm.s32 $0x200  }
0x2b: {  	s7 =	simm.s32 $0x380;
	s23 =	sshrl.u32 s26, $0x3;
	s26 =	simm.s32 $0x400  }
.LBB2_5:
0x2c: {  	s10 =	stileid.u32  }
0x2d: {  	[bflag:$0x0] =	sbarrier.arrive $0xFFFF;
	s10 =	sshll.u32 s10, $0x6  }
0x2e: {  	s12 =	rddreg [dreg:$0x3];
	s10 =	sor.u32 $0x1C03, s10  }
0x2f: {  	[hbm:s12], [sflag:s10] =	dma.local [spmem:s18], $0x500  }
0x30: {  	_ =	swait.ge [sflag:s8], $0x500  }
0x31: {  	[sflag:s8] =	ssyncset.done $0x0  }
0x32: {  	s15 =	rddreg [dreg:$0x4];
	[sflag:s8] =	ssyncadd.s32 $0xFFFFFB00  }
0x33: {  	[hbm:s15], [sflag:s10] =	dma.local [spmem:s19], $0x500  }
0x34: {  	_ =	swait.ge [sflag:s8], $0x500  }
0x35: {  	[sflag:s8] =	ssyncset.done $0x0  }
0x36: {  	s13 =	rddreg [dreg:$0x5];
	[sflag:s8] =	ssyncadd.s32 $0xFFFFFB00  }
0x37: {  	[hbm:s13], [sflag:s10] =	dma.local [spmem:s20], $0x500  }
0x38: {  	_ =	swait.ge [sflag:s8], $0x500  }
0x39: {  	[sflag:s8] =	ssyncset.done $0x0  }
0x3a: {  	s14 =	rddreg [dreg:$0x6];
	[sflag:s8] =	ssyncadd.s32 $0xFFFFFB00  }
0x3b: {  	[hbm:s14], [sflag:s10] =	dma.local [spmem:s21], $0x500  }
0x3c: {  	_ =	swait.ge [sflag:s8], $0x500  }
0x3d: {  	[sflag:s8] =	ssyncset.done $0x0  }
0x3e: {  	s15 =	rddreg [dreg:$0x7];
	[sflag:s8] =	ssyncadd.s32 $0xFFFFFB00  }
0x3f: {  	[hbm:s15], [sflag:s10] =	dma.local [spmem:s22], $0x500  }
0x40: {  	_ =	swait.ge [sflag:s8], $0x500  }
0x41: {  	[sflag:s8] =	ssyncset.done $0x0  }
0x42: {  	s13 =	rddreg [dreg:$0x8];
	[sflag:s8] =	ssyncadd.s32 $0xFFFFFB00  }
0x43: {  	[hbm:s13], [sflag:s10] =	dma.local [spmem:s23], $0x500  }
0x44: {  	_ =	swait.ge [sflag:s8], $0x500  }
0x45: {  	[sflag:s8] =	ssyncset.done $0x0  }
0x46: {  	s14 =	rddreg [dreg:$0x9];
	[sflag:s8] =	ssyncadd.s32 $0xFFFFFB00  }
0x47: {  	[hbm:s14], [sflag:s10] =	dma.local [spmem:s24], $0x500  }
0x48: {  	_ =	swait.ge [sflag:s8], $0x500  }
0x49: {  	[sflag:s8] =	ssyncset.done $0x0  }
0x4a: {  	s12 =	rddreg [dreg:$0xa];
	[sflag:s8] =	ssyncadd.s32 $0xFFFFFB00  }
0x4b: {  	[hbm:s12], [sflag:s10] =	dma.local @!p1 [spmem:s25], $0x500  }
0x4c: {  	s10 =	simm.s32 @!p1 $0x3  }
0x4d: {  	_ =	swait.ge @!p1 [sflag:s10], $0x500  }
0x4e: {  	s9 =	sadd.s32 $0x1, s9;
	s15 =	rddreg [dreg:$0xc]  }
0x4f: {  	p2 =	sne.s32 s9, s15  }
.Ltmp1:
0x50: {  	_ = 	snop;
	(pc) =	sbr.rel @!p2 .LBB2_6-.Ltmp1, $3  }
0x51: {  	_ =	sdelay $0x1  }
0x52: {  	[sflag:s10] =	ssyncset.done @!p1 $0x0  }
0x53: {  	[sflag:s10] =	ssyncadd.s32 @!p1 $0xFFFFFB00  }
.LBB2_1:
0x54: {  	s12 =	sshrl.u32 @!p0 s1, $0x3;
	s14 =	simm.s32 @!p0 $0x1C03;
	s10 =	rddreg [dreg:$0xb]  }
0x55: {  	[spmem:s12], [sflag:s14] =	dma.local @!p0 [hbm:s10], $0x28000  }
0x56: {  	s12 =	simm.s32 @!p0 $0x3  }
.Ltmp2:
0x57: {  	_ =	swait.ge @!p0 [sflag:s12], $0x28000;
	(pc) =	sbr.rel .LBB2_2-.Ltmp2, $4  }
0x58: {  	[sflag:s12] =	ssyncset.done @!p0 $0x0  }
0x59: {  	[sflag:s12] =	ssyncadd.s32 @!p0 $0xFFFD8000  }
0x5a: {  	[bflag:$0x0] =	sbarrier.arrive $0xFFFF  }
0x5b: {  	s15 =	smov.u32 s11;
	s12 =	simm.s32 $0x0;
	s14 =	rddreg [dreg:$0xd]  }
.LBB2_4:
0x5c: {  	s12 =	sadd.s32 $0x80000, s12  }
0x5d: {  	p2 =	sne.s32 s12, $0x500000  }
.Ltmp3:
0x5e: {  	_ = 	snop;
	(pc) =	sbr.rel @!p2 .LBB2_5-.Ltmp3, $2  }
0x5f: {  	_ =	sdelay $0x2  }
0x60: {  	s15 =	sadd.s32 $0x1000, s15;
	s14 =	sadd.s32 $0x20, s14  }
.LBB2_2:
0x61: {  	p2 =	sgt.u32 s14, $0x138  }
.Ltmp4:
0x62: {  	_ = 	snop;
	(pc) =	sbr.rel @p2 .LBB2_4-.Ltmp4, $1  }
0x63: {  	_ =	sdelay $0x3  }
0x64: {  	[tilespmem:s2], [sflag:$0x4] =	stream.linear.gather [hbm4b:s15+s2], $0x400, $0x38;
	[tilespmem:$0x1C400] =	vst v63  }
0x65: {  	_ =	swait.ge [sflag:s17], $0x400  }
0x66: {  	[sflag:s17] =	ssyncset.done $0x0  }
0x67: {  	s13 =	sadd.s32 s12, s16;
	[sflag:s17] =	ssyncadd.s32 $0xFFFFFC00  }
0x68: {  	[tilespmem:s26], [sflag:$0x1] =	stream.linear.gather [hbm4b:s13+s2], $0x4000, $0x38;
	[tilespmem:$0x1C400] =	vst v63  }
0x69: {  	s10 =	sadd.s32 $0x800, s13  }
0x6a: {  	[tilespmem:s28], [sflag:$0x2] =	stream.linear.gather [hbm4b:s10+s2], $0x4000, $0x38;
	[tilespmem:$0x1C400] =	vst v63  }
0x6b: {  	_ =	swait.ge [sflag:s29], $0x4000  }
0x6c: {  	[sflag:s29] =	ssyncset.done $0x0  }
0x6d: {  	[sflag:s29] =	ssyncadd.s32 $0xFFFFC000  }
0x6e: {  	[spmem:s1] =	stream.indirect.scatter.add.f32 [tilespmem:s26], [sflag:$0x4], $0x80, s2, s30, $0xb8;
	[tilespmem:$0x1C400] =	vst v63  }
0x6f: {  	_ =	swait.ge [sflag:s17], $0x4000  }
0x70: {  	[sflag:s17] =	ssyncset.done $0x0  }
0x71: {  	s10 =	sadd.s32 $0x1000, s13;
	[sflag:s17] =	ssyncadd.s32 $0xFFFFC000  }
0x72: {  	[tilespmem:s26], [sflag:$0x1] =	stream.linear.gather [hbm4b:s10+s2], $0x4000, $0x38;
	[tilespmem:$0x1C400] =	vst v63  }
0x73: {  	_ =	swait.ge [sflag:s31], $0x4000  }
0x74: {  	[sflag:s31] =	ssyncset.done $0x0  }
0x75: {  	[sflag:s31] =	ssyncadd.s32 $0xFFFFC000  }
0x76: {  	[spmem:s1] =	stream.indirect.scatter.add.f32 [tilespmem:s28], [sflag:$0x4], $0x80, s30, s30, $0xb8;
	[tilespmem:$0x1C400] =	vst v63  }
0x77: {  	_ =	swait.ge [sflag:s17], $0x4000  }
0x78: {  	[sflag:s17] =	ssyncset.done $0x0  }
0x79: {  	s10 =	sadd.s32 $0x1800, s13;
	[sflag:s17] =	ssyncadd.s32 $0xFFFFC000  }
0x7a: {  	[tilespmem:s28], [sflag:$0x2] =	stream.linear.gather [hbm4b:s10+s2], $0x4000, $0x38;
	[tilespmem:$0x1C400] =	vst v63  }
0x7b: {  	_ =	swait.ge [sflag:s29], $0x4000  }
0x7c: {  	[sflag:s29] =	ssyncset.done $0x0  }
0x7d: {  	[sflag:s29] =	ssyncadd.s32 $0xFFFFC000  }
0x7e: {  	[spmem:s1] =	stream.indirect.scatter.add.f32 [tilespmem:s26], [sflag:$0x4], $0x80, s0, s30, $0xb8;
	[tilespmem:$0x1C400] =	vst v63  }
0x7f: {  	_ =	swait.ge [sflag:s17], $0x4000  }
0x80: {  	[sflag:s17] =	ssyncset.done $0x0  }
0x81: {  	s10 =	sadd.s32 $0x2000, s13;
	[sflag:s17] =	ssyncadd.s32 $0xFFFFC000  }
0x82: {  	[tilespmem:s26], [sflag:$0x1] =	stream.linear.gather [hbm4b:s10+s2], $0x4000, $0x38;
	[tilespmem:$0x1C400] =	vst v63  }
0x83: {  	_ =	swait.ge [sflag:s31], $0x4000  }
0x84: {  	[sflag:s31] =	ssyncset.done $0x0  }
0x85: {  	[sflag:s31] =	ssyncadd.s32 $0xFFFFC000  }
0x86: {  	[spmem:s1] =	stream.indirect.scatter.add.f32 [tilespmem:s28], [sflag:$0x4], $0x80, s3, s30, $0xb8;
	[tilespmem:$0x1C400] =	vst v63  }
0x87: {  	_ =	swait.ge [sflag:s17], $0x4000  }
0x88: {  	[sflag:s17] =	ssyncset.done $0x0  }
0x89: {  	s10 =	sadd.s32 $0x2800, s13;
	[sflag:s17] =	ssyncadd.s32 $0xFFFFC000  }
0x8a: {  	[tilespmem:s28], [sflag:$0x2] =	stream.linear.gather [hbm4b:s10+s2], $0x4000, $0x38;
	[tilespmem:$0x1C400] =	vst v63  }
0x8b: {  	_ =	swait.ge [sflag:s29], $0x4000  }
0x8c: {  	[sflag:s29] =	ssyncset.done $0x0  }
0x8d: {  	[sflag:s29] =	ssyncadd.s32 $0xFFFFC000  }
0x8e: {  	[spmem:s1] =	stream.indirect.scatter.add.f32 [tilespmem:s26], [sflag:$0x4], $0x80, s4, s30, $0xb8;
	[tilespmem:$0x1C400] =	vst v63  }
0x8f: {  	_ =	swait.ge [sflag:s17], $0x4000  }
0x90: {  	[sflag:s17] =	ssyncset.done $0x0  }
0x91: {  	s10 =	sadd.s32 $0x3000, s13;
	[sflag:s17] =	ssyncadd.s32 $0xFFFFC000  }
0x92: {  	[tilespmem:s26], [sflag:$0x1] =	stream.linear.gather [hbm4b:s10+s2], $0x4000, $0x38;
	[tilespmem:$0x1C400] =	vst v63  }
0x93: {  	_ =	swait.ge [sflag:s31], $0x4000  }
0x94: {  	[sflag:s31] =	ssyncset.done $0x0  }
0x95: {  	[sflag:s31] =	ssyncadd.s32 $0xFFFFC000  }
0x96: {  	[spmem:s1] =	stream.indirect.scatter.add.f32 [tilespmem:s28], [sflag:$0x4], $0x80, s5, s30, $0xb8;
	[tilespmem:$0x1C400] =	vst v63  }
0x97: {  	_ =	swait.ge [sflag:s17], $0x4000  }
0x98: {  	[sflag:s17] =	ssyncset.done $0x0  }
0x99: {  	s13 =	sadd.s32 $0x3800, s13;
	[sflag:s17] =	ssyncadd.s32 $0xFFFFC000  }
0x9a: {  	[tilespmem:s28], [sflag:$0x2] =	stream.linear.gather [hbm4b:s13+s2], $0x4000, $0x38;
	[tilespmem:$0x1C400] =	vst v63  }
0x9b: {  	_ =	swait.ge [sflag:s29], $0x4000  }
0x9c: {  	[sflag:s29] =	ssyncset.done $0x0  }
0x9d: {  	[sflag:s29] =	ssyncadd.s32 $0xFFFFC000  }
0x9e: {  	[spmem:s1] =	stream.indirect.scatter.add.f32 [tilespmem:s26], [sflag:$0x4], $0x80, s6, s30, $0xb8;
	[tilespmem:$0x1C400] =	vst v63  }
0x9f: {  	_ =	swait.ge [sflag:s17], $0x4000  }
0xa0: {  	[sflag:s17] =	ssyncset.done $0x0  }
0xa1: {  	[sflag:s17] =	ssyncadd.s32 $0xFFFFC000  }
0xa2: {  	_ =	swait.ge [sflag:s31], $0x4000  }
0xa3: {  	[sflag:s31] =	ssyncset.done $0x0  }
.Ltmp5:
0xa4: {  	[sflag:s31] =	ssyncadd.s32 $0xFFFFC000;
	(pc) =	sbr.rel .LBB2_4-.Ltmp5, $4  }
0xa5: {  	[spmem:s1] =	stream.indirect.scatter.add.f32 [tilespmem:s28], [sflag:$0x3], $0x80, s7, s30, $0xb8;
	[tilespmem:$0x1C400] =	vst v63  }
0xa6: {  	_ =	swait.ge [sflag:s8], $0x4000  }
0xa7: {  	[sflag:s8] =	ssyncset.done $0x0  }
0xa8: {  	[sflag:s8] =	ssyncadd.s32 $0xFFFFC000  }
.LBB2_6:
0xa9: {  	_ =	sfence.sel $0x180000  }
0xaa: {  	[bflag:$0x0] =	sbarrier.arrive $0xFFFF  }
0xab: {  	_ =	strace $0x9000004A  }
0xac: {  	[bflag:$0x2] =	sbarrier.arrive $0xFFFF  }
0xad: {  	s0 =	rddreg [dreg:$0x2]  }
0xae: {  	s0 =	sadd.s32 @!p0 $0x100000, s0  }
0xaf: {  	[sflag:s0] =	ssyncadd.tile.s32 @!p0 $0x1;
	_ =	shalt  }
.Lfunc_end2:
_tile_overlayer_lowered:
.L_overlay_start_2:
0xb0: {  	(tag) =	ssettag $0x2  }
0xb1: {  	s0 =	rddreg [dreg:$0x0];
	s2 =	stileid.u32  }
0xb2: {  	s1 =	rddreg [dreg:$0x1];
	p0 =	sne.s32 s2, $0x0  }
0xb3: {  	s3 =	rddreg [dreg:$0x2];
	[bflag:$0x3] =	sbarrier.arrive $0xFFFF;
	s2 =	simm.s32 @!p0 $0x1C03  }
0xb4: {  	[timem:s3], [sflag:s2] =	dma.local @!p0 [hbm:s0], s1  }
0xb5: {  	s0 =	simm.s32 @!p0 $0x3  }
0xb6: {  	_ =	swait.ge @!p0 [sflag:s0], s1  }
0xb7: {  	s1 =	ssub.s32 @!p0 $0x0, s1;
	[sflag:s0] =	ssyncset.done @!p0 $0x0  }
0xb8: {  	[sflag:s0] =	ssyncadd.s32 @!p0 s1  }
0xb9: {  	[bflag:$0x3] =	sbarrier.arrive $0xFFFF  }
0xba: {  	_ =	shalt  }

</sc_bundles>
